<compile_context>
chip_gen: v7x
topology: tpu7x:2x2x1
jax: 0.10.2.dev20260603
libtpu: 0.0.44.dev20260713+nightly
codegen_flags: <defaults>
</compile_context>

<pallas_src>
import functools

import jax
import jax.numpy as jnp
from jax import lax
from jax.experimental import pallas as pl
from jax.experimental.pallas import tpu as pltpu
from jax.experimental.pallas import tpu_sc as plsc

KEEP = 0.1
ROW_BLOCK = 512
NC, NS, L = 2, 16, 16
NW = NC * NS
CH = 8


def _splat(v):
    if getattr(v, "ndim", 0) == 0:
        return lax.broadcast(v, (L,))
    return v


_GDN = lax.GatherDimensionNumbers(
    offset_dims=(), collapsed_slice_dims=(0,), start_index_map=(0,))


def _take(v, idx):
    return lax.gather(v, idx[:, None], _GDN, (1,),
                      mode=lax.GatherScatterMode.PROMISE_IN_BOUNDS)


def _scan512(h, c, kk):
    ca = c[pl.ds(0, L)]
    cb = c[pl.ds(L, L)]
    rb = lax.rev(cb, (0,))
    crb = plsc.cumsum(rb)
    tb = _take(crb, jnp.full((L,), 15, jnp.int32))
    condb = crb >= kk
    anyb = jnp.any(condb)
    lb = jnp.minimum(_splat(plsc.all_reduce_ffs(condb)), 15)
    ra = lax.rev(ca, (0,))
    cra = plsc.cumsum(ra) + tb
    conda = cra >= kk
    la = jnp.minimum(_splat(plsc.all_reduce_ffs(conda)), 15)
    i1v = jnp.where(anyb, 31 - lb, 15 - la)
    pre = jnp.where(anyb, _take(crb - rb, lb), _take(cra - ra, la))
    i1s = lax.reduce_max(i1v, (0,))
    hv = h[pl.ds(i1s * L, L)]
    rv = lax.rev(hv, (0,))
    crv = plsc.cumsum(rv)
    cond = (pre + crv) >= kk
    lf = jnp.minimum(_splat(plsc.all_reduce_ffs(cond)), 15)
    b = i1v * L + 15 - lf
    pre2 = pre + _take(crv - rv, lf)
    return b, kk - pre2


def _sc_thresholds(xflat, S, D, k):
    rows_w = S // NW
    mesh = plsc.VectorSubcoreMesh(core_axis_name="c", subcore_axis_name="s")

    @functools.partial(
        pl.kernel,
        out_type=jax.ShapeDtypeStruct((S,), jnp.int32),
        mesh=mesh,
        scratch_types=[
            pltpu.VMEM((CH * D,), jnp.float32),
            pltpu.VMEM((512,), jnp.int32),
            pltpu.VMEM((32,), jnp.int32),
            pltpu.VMEM((512,), jnp.int32),
            pltpu.VMEM((32,), jnp.int32),
            pltpu.VMEM((rows_w,), jnp.int32),
        ],
        compiler_params=pltpu.CompilerParams(needs_layout_passes=False),
    )
    def body(x_hbm, thr_hbm, rows_v, h1, c1, h2, c2, thr_v):
        wid = lax.axis_index("s") * NC + lax.axis_index("c")
        base = wid * rows_w
        ones16 = jnp.ones((L,), jnp.int32)
        zeros16 = jnp.zeros((L,), jnp.int32)

        def row_body(ci, r, _):
            roff = r * D

            @plsc.parallel_loop(0, 512 // L, unroll=8)
            def _z(i):
                h1[pl.ds(i * L, L)] = zeros16
                h2[pl.ds(i * L, L)] = zeros16

            c1[pl.ds(0, L)] = zeros16
            c1[pl.ds(L, L)] = zeros16
            c2[pl.ds(0, L)] = zeros16
            c2[pl.ds(L, L)] = zeros16

            @plsc.parallel_loop(0, D // L, unroll=8)
            def _h1(j):
                v = rows_v[pl.ds(roff + L * j, L)]
                bits = (lax.bitcast_convert_type(v, jnp.int32)
                        & jnp.int32(0x7FFFFFFF))
                plsc.addupdate_scatter(h1, [bits >> 22], ones16)
                plsc.addupdate_scatter(c1, [bits >> 26], ones16)

            b1, k2 = _scan512(h1, c1, k)

            @plsc.parallel_loop(0, D // L, unroll=8)
            def _h2(j):
                v = rows_v[pl.ds(roff + L * j, L)]
                bits = (lax.bitcast_convert_type(v, jnp.int32)
                        & jnp.int32(0x7FFFFFFF))
                m = (bits >> 22) == b1
                plsc.addupdate_scatter(
                    h2, [(bits >> 13) & 511], ones16, mask=m)
                plsc.addupdate_scatter(
                    c2, [(bits >> 17) & 31], ones16, mask=m)

            b2, _ = _scan512(h2, c2, k2)
            val = (b1 << 22) | (b2 << 13)
            plsc.store_scatter(
                thr_v, [lax.broadcast(ci * CH + r, (L,))],
                val, mask=lax.iota(jnp.int32, L) == 0)
            return 0

        def chunk_body(ci, _c):
            pltpu.sync_copy(
                x_hbm.at[pl.ds((base + ci * CH) * D, CH * D)], rows_v)
            lax.fori_loop(0, CH, functools.partial(row_body, ci), 0)
            return 0

        lax.fori_loop(0, rows_w // CH, chunk_body, 0)
        pltpu.sync_copy(thr_v, thr_hbm.at[pl.ds(base, rows_w)])

    return body(xflat)


def _mask_body(x_ref, t_ref, _a_ref, o_ref):
    x = x_ref[...]
    thr = jax.lax.bitcast_convert_type(t_ref[...], jnp.float32)
    ax = jnp.abs(x)
    o_ref[...] = x * jax.nn.sigmoid(10.0 * (ax - thr))


def _tc_body(k, x_ref, o_ref):
    x = x_ref[...]
    bits = jax.lax.bitcast_convert_type(x, jnp.int32) & jnp.int32(0x7FFFFFFF)
    ones_col = jnp.ones((x.shape[1], 8), jnp.float32)
    kf = jnp.float32(k)
    nchain = 4
    rows = x.shape[0] // nchain
    chunks = [bits[i * rows:(i + 1) * rows] for i in range(nchain)]
    los = [jnp.zeros((rows, 1), jnp.int32) for _ in range(nchain)]
    for b in range(30, 12, -1):
        bit = jnp.int32(1 << b)
        cands = [lo | bit for lo in los]
        inds = [(c >= cand).astype(jnp.float32)
                for c, cand in zip(chunks, cands)]
        cnts = [jax.lax.dot_general(ind, ones_col, (((1,), (0,)), ((), ())),
                                    preferred_element_type=jnp.float32)[:, 0:1]
                for ind in inds]
        los = [jnp.where(cnt >= kf, cand, lo)
               for cnt, cand, lo in zip(cnts, cands, los)]
    lo = jnp.concatenate(los, axis=0)
    thr = jax.lax.bitcast_convert_type(lo, jnp.float32)
    ax = jax.lax.bitcast_convert_type(bits, jnp.float32)
    o_ref[...] = x * jax.nn.sigmoid(10.0 * (ax - thr))


SC_ROWS = 6656


def kernel(x):
    B, T, D = x.shape
    k = max(1, int(D * KEEP))
    R = B * T
    S = SC_ROWS
    xr = x.reshape(R, D)
    nsc = S // ROW_BLOCK
    thr_sc = _sc_thresholds(xr[:S].reshape(-1), S, D, k)
    big = pl.pallas_call(
        functools.partial(_tc_body, k),
        grid=(R // ROW_BLOCK - nsc,),
        in_specs=[pl.BlockSpec((ROW_BLOCK, D), lambda i: (i + nsc, 0))],
        out_specs=pl.BlockSpec((ROW_BLOCK, D), lambda i: (i + nsc, 0)),
        out_shape=jax.ShapeDtypeStruct((R, D), x.dtype),
    )(xr)
    out = pl.pallas_call(
        _mask_body,
        grid=(nsc,),
        in_specs=[
            pl.BlockSpec((ROW_BLOCK, D), lambda i: (i, 0)),
            pl.BlockSpec((ROW_BLOCK, 1), lambda i: (i, 0)),
            pl.BlockSpec(memory_space=pltpu.MemorySpace.HBM),
        ],
        out_specs=pl.BlockSpec((ROW_BLOCK, D), lambda i: (i, 0)),
        out_shape=jax.ShapeDtypeStruct((R, D), x.dtype),
        input_output_aliases={2: 0},
    )(xr, thr_sc.reshape(S, 1), big)
    return out.reshape(B, T, D)

# --- scband reference (transcript-rebuilt; emitter-appended) ---
"""Pipeline reference for scband-activation-sparsifier-80994493268358 (READ-ONLY COPY).

The authoritative reference and input builder live on the scoring server;
editing this copy changes nothing except your own understanding.
"""

import jax, jax.numpy as jnp
import numpy as np

KEEP_RATIO = 0.1

def setup_inputs(seed: int = 0) -> dict:
    key = jax.random.key(seed)
    x = jax.random.normal(key, (4, 8192, 1024), dtype=jnp.float32)
    return {"x": x}

def reference(x):
    # Training-mode path of ActivationSparsifier (nn.Module defaults to training=True)
    B, T, D = x.shape
    k = max(1, int(D * KEEP_RATIO))
    ax = jnp.abs(x)
    topk_vals, _ = jax.lax.top_k(ax, k)            # [B, T, k], sorted descending
    threshold = jax.lax.stop_gradient(topk_vals[:, :, -1:])  # k-th largest |x|, detached
    mask = jax.nn.sigmoid(10.0 * (ax - threshold))
    return x * mask

if __name__ == "__main__":
    import jax
    _d = setup_inputs()
    print(jax.jit(kernel)(*tuple(_d.values())))

</pallas_src>

<mosaic_0001>
#map = affine_map<(d0, d1) -> (0)>
module attributes {stable_mosaic.version = 14 : i64} {
  func.func @body(%arg0: i32, %arg1: i32, %arg2: memref<6815744xf32, #tpu.memory_space<hbm>>, %arg3: memref<6656xi32, #tpu.memory_space<hbm>>, %arg4: memref<8192xf32, #tpu.memory_space<vmem>>, %arg5: memref<512xi32, #tpu.memory_space<vmem>>, %arg6: memref<32xi32, #tpu.memory_space<vmem>>, %arg7: memref<512xi32, #tpu.memory_space<vmem>>, %arg8: memref<32xi32, #tpu.memory_space<vmem>>, %arg9: memref<208xi32, #tpu.memory_space<vmem>>) attributes {dimension_semantics = [#tpu.dimension_semantics<core_parallel>, #tpu.dimension_semantics<subcore_parallel>], iteration_bounds = array<i64: 2, 16>, scalar_prefetch = 0 : i64, scratch_operands = 6 : i64, tpu.core_type = #tpu.core_type<sc_vector_subcore>, window_params = [{transform_indices = #map}, {transform_indices = #map}]} {
    %mul3A = arith.constant 2 : i32
    %mul3A_0 = arith.muli %arg1, %mul3A : i32
    %add3A = arith.addi %mul3A_0, %arg0 : i32
    %mul3A_1 = arith.constant 208 : i32
    %mul3A_2 = arith.muli %add3A, %mul3A_1 : i32
    %broadcast_in_dim3A = arith.constant 1 : i32
    %broadcast_in_dim3A_3 = vector.broadcast %broadcast_in_dim3A : i32 to vector<16xi32>
    %broadcast_in_dim3A_4 = arith.constant 0 : i32
    %broadcast_in_dim3A_5 = vector.broadcast %broadcast_in_dim3A_4 : i32 to vector<16xi32>
    %scan3A = arith.constant 0 : i32
    %scan3A_6 = arith.constant 0 : i32
    %scan3A_7 = arith.constant 26 : i32
    %scan3A_8 = arith.addi %scan3A_6, %scan3A_7 : i32
    %scan3A_9 = arith.constant 1 : i32
    %scan3A_10 = scf.for %scan3A_12 = %scan3A_6 to %scan3A_8 step %scan3A_9 iter_args(%scan3A_13 = %scan3A) -> (i32)  : i32 {
      %mul3A_14 = arith.constant 8 : i32
      %mul3A_15 = arith.muli %scan3A_12, %mul3A_14 : i32
      %add3A_16 = arith.addi %mul3A_2, %mul3A_15 : i32
      %mul3A_17 = arith.constant 1024 : i32
      %mul3A_18 = arith.muli %add3A_16, %mul3A_17 : i32
      "tpu.region"() ({
        %run_scoped3A = tpu.sem_alloc : memref<!tpu.dma_semaphore, #tpu.memory_space<semaphore_mem>>
        %dma_start3A = tpu.memref_slice %arg2[%mul3A_18] : memref<6815744xf32, #tpu.memory_space<hbm>> -> memref<8192xf32, #tpu.memory_space<hbm>>
        %dma_start3A_27 = tpu.memref_slice %arg2[%mul3A_18] : memref<6815744xf32, #tpu.memory_space<hbm>> -> memref<8192xf32, #tpu.memory_space<hbm>>
        tpu.enqueue_dma source(%dma_start3A_27 : memref<8192xf32, #tpu.memory_space<hbm>>) target(%arg4 : memref<8192xf32, #tpu.memory_space<vmem>>) target_semaphore(%run_scoped3A : memref<!tpu.dma_semaphore, #tpu.memory_space<semaphore_mem>>)
        %dma_wait3A = tpu.memref_slice %arg2[%mul3A_18] : memref<6815744xf32, #tpu.memory_space<hbm>> -> memref<8192xf32, #tpu.memory_space<hbm>>
        %dma_wait3A_28 = tpu.memref_slice %arg2[%mul3A_18] : memref<6815744xf32, #tpu.memory_space<hbm>> -> memref<8192xf32, #tpu.memory_space<hbm>>
        tpu.wait_dma2 semaphore(%run_scoped3A : memref<!tpu.dma_semaphore, #tpu.memory_space<semaphore_mem>>) src(%dma_wait3A_28 : memref<8192xf32, #tpu.memory_space<hbm>>) dst(%arg4 : memref<8192xf32, #tpu.memory_space<vmem>>)
        tpu.yield
      }) : () -> ()
      %scan3A_19 = arith.constant 0 : i32
      %scan3A_20 = arith.constant 0 : i32
      %scan3A_21 = arith.constant 8 : i32
      %scan3A_22 = arith.addi %scan3A_20, %scan3A_21 : i32
      %scan3A_23 = arith.constant 1 : i32
      %scan3A_24 = scf.for %scan3A_27 = %scan3A_20 to %scan3A_22 step %scan3A_23 iter_args(%scan3A_28 = %scan3A_19) -> (i32)  : i32 {
        %mul3A_29 = arith.constant 1024 : i32
        %mul3A_30 = arith.muli %scan3A_27, %mul3A_29 : i32
        %parallel_loop3A = arith.constant 0 : i32
        %parallel_loop3A_31 = arith.constant 32 : i32
        %parallel_loop3A_32 = arith.constant 1 : i32
        scf.for %parallel_loop3A_259 = %parallel_loop3A to %parallel_loop3A_31 step %parallel_loop3A_32  : i32 {
          %parallel_loop3A_260 = arith.constant 16 : i32
          %parallel_loop3A_261 = arith.muli %parallel_loop3A_259, %parallel_loop3A_260 : i32
          %parallel_loop3A_262 = arith.index_cast %parallel_loop3A_261 : i32 to index
          %parallel_loop3A_263 = tpu.vector_load %arg5[%parallel_loop3A_262] {strides = array<i32>} : memref<512xi32, #tpu.memory_space<vmem>>, vector<16xi32>,
          tpu.vector_store %arg5[%parallel_loop3A_262], %broadcast_in_dim3A_5 {strides = array<i32>} : memref<512xi32, #tpu.memory_space<vmem>>, vector<16xi32>,
          %parallel_loop3A_264 = arith.constant 16 : i32
          %parallel_loop3A_265 = arith.muli %parallel_loop3A_259, %parallel_loop3A_264 : i32
          %parallel_loop3A_266 = arith.index_cast %parallel_loop3A_265 : i32 to index
          %parallel_loop3A_267 = tpu.vector_load %arg7[%parallel_loop3A_266] {strides = array<i32>} : memref<512xi32, #tpu.memory_space<vmem>>, vector<16xi32>,
          tpu.vector_store %arg7[%parallel_loop3A_266], %broadcast_in_dim3A_5 {strides = array<i32>} : memref<512xi32, #tpu.memory_space<vmem>>, vector<16xi32>,
        } {sc.loop_unroll_factor = 8 : i64, sc.parallel_access}
        %swap3A = arith.constant 0 : index
        %swap3A_33 = tpu.vector_load %arg6[%swap3A] {strides = array<i32>} : memref<32xi32, #tpu.memory_space<vmem>>, vector<16xi32>,
        tpu.vector_store %arg6[%swap3A], %broadcast_in_dim3A_5 {strides = array<i32>} : memref<32xi32, #tpu.memory_space<vmem>>, vector<16xi32>,
        %swap3A_34 = arith.constant 16 : index
        %swap3A_35 = tpu.vector_load %arg6[%swap3A_34] {strides = array<i32>} : memref<32xi32, #tpu.memory_space<vmem>>, vector<16xi32>,
        tpu.vector_store %arg6[%swap3A_34], %broadcast_in_dim3A_5 {strides = array<i32>} : memref<32xi32, #tpu.memory_space<vmem>>, vector<16xi32>,
        %swap3A_36 = arith.constant 0 : index
        %swap3A_37 = tpu.vector_load %arg8[%swap3A_36] {strides = array<i32>} : memref<32xi32, #tpu.memory_space<vmem>>, vector<16xi32>,
        tpu.vector_store %arg8[%swap3A_36], %broadcast_in_dim3A_5 {strides = array<i32>} : memref<32xi32, #tpu.memory_space<vmem>>, vector<16xi32>,
        %swap3A_38 = arith.constant 16 : index
        %swap3A_39 = tpu.vector_load %arg8[%swap3A_38] {strides = array<i32>} : memref<32xi32, #tpu.memory_space<vmem>>, vector<16xi32>,
        tpu.vector_store %arg8[%swap3A_38], %broadcast_in_dim3A_5 {strides = array<i32>} : memref<32xi32, #tpu.memory_space<vmem>>, vector<16xi32>,
        %parallel_loop3A_40 = arith.constant 0 : i32
        %parallel_loop3A_41 = arith.constant 64 : i32
        %parallel_loop3A_42 = arith.constant 1 : i32
        scf.for %parallel_loop3A_259 = %parallel_loop3A_40 to %parallel_loop3A_41 step %parallel_loop3A_42  : i32 {
          %parallel_loop3A_260 = arith.constant 16 : i32
          %parallel_loop3A_261 = arith.muli %parallel_loop3A_260, %parallel_loop3A_259 : i32
          %parallel_loop3A_262 = arith.addi %mul3A_30, %parallel_loop3A_261 : i32
          %parallel_loop3A_263 = arith.index_cast %parallel_loop3A_262 : i32 to index
          %parallel_loop3A_264 = tpu.vector_load %arg4[%parallel_loop3A_263] {strides = array<i32>} : memref<8192xf32, #tpu.memory_space<vmem>>, vector<16xf32>,
          %parallel_loop3A_265 = tpu.bitcast %parallel_loop3A_264 : vector<16xf32> -> vector<16xi32>
          %parallel_loop3A_266 = arith.constant 2147483647 : i32
          %parallel_loop3A_267 = vector.broadcast %parallel_loop3A_266 : i32 to vector<16xi32>
          %parallel_loop3A_268 = arith.andi %parallel_loop3A_265, %parallel_loop3A_267 : vector<16xi32>
          %parallel_loop3A_269 = arith.constant 22 : i32
          %parallel_loop3A_270 = vector.broadcast %parallel_loop3A_269 : i32 to vector<16xi32>
          %parallel_loop3A_271 = arith.shrsi %parallel_loop3A_268, %parallel_loop3A_270 : vector<16xi32>
          tpu.vector_store_idx %arg5[%parallel_loop3A_271], %broadcast_in_dim3A_3 {add = true} : memref<512xi32, #tpu.memory_space<vmem>>[vector<16xi32>], vector<16xi32>,
          %parallel_loop3A_272 = arith.constant 26 : i32
          %parallel_loop3A_273 = vector.broadcast %parallel_loop3A_272 : i32 to vector<16xi32>
          %parallel_loop3A_274 = arith.shrsi %parallel_loop3A_268, %parallel_loop3A_273 : vector<16xi32>
          tpu.vector_store_idx %arg6[%parallel_loop3A_274], %broadcast_in_dim3A_3 {add = true} : memref<32xi32, #tpu.memory_space<vmem>>[vector<16xi32>], vector<16xi32>,
        } {sc.loop_unroll_factor = 8 : i64, sc.parallel_access}
        %get3A = arith.constant 0 : index
        %get3A_43 = tpu.vector_load %arg6[%get3A] {strides = array<i32>} : memref<32xi32, #tpu.memory_space<vmem>>, vector<16xi32>,
        %get3A_44 = arith.constant 16 : index
        %get3A_45 = tpu.vector_load %arg6[%get3A_44] {strides = array<i32>} : memref<32xi32, #tpu.memory_space<vmem>>, vector<16xi32>,
        %rev3A = arith.constant 15 : i32
        %rev3A_46 = vector.broadcast %rev3A : i32 to vector<16xi32>
        %rev3A_47 = tpu.iota {dimensions = array<i32: 0>} : vector<16xi32>
        %rev3A_48 = arith.subi %rev3A_46, %rev3A_47 : vector<16xi32>
        %rev3A_49 = tpu.dynamic_gather %get3A_45[%rev3A_48] in [0] : vector<16xi32>, vector<16xi32> -> vector<16xi32>
        %broadcast_in_dim3A_50 = arith.constant true
        %broadcast_in_dim3A_51 = vector.broadcast %broadcast_in_dim3A_50 : i1 to vector<16xi1>
        %masked_cumsum3A = tpu.scan <sum>, %rev3A_49 masked %broadcast_in_dim3A_51 : vector<16xi32>, vector<16xi1> -> vector<16xi32>
        %broadcast_in_dim3A_52 = arith.constant 15 : i32
        %broadcast_in_dim3A_53 = vector.broadcast %broadcast_in_dim3A_52 : i32 to vector<16xi32>
        %broadcast_in_dim3A_54 = vector.shape_cast %broadcast_in_dim3A_53 : vector<16xi32> to vector<16x1xi32>
        %gather3A = vector.shape_cast %broadcast_in_dim3A_54 : vector<16x1xi32> to vector<16xi32>
        %gather3A_55 = tpu.dynamic_gather %masked_cumsum3A[%gather3A] in [0] : vector<16xi32>, vector<16xi32> -> vector<16xi32>
        %ge3A = arith.constant 102 : i32
        %ge3A_56 = vector.broadcast %ge3A : i32 to vector<16xi32>
        %ge3A_57 = arith.cmpi sge, %masked_cumsum3A, %ge3A_56 : vector<16xi32>
        %reduce_or3A = arith.constant 1.000000e+00 : f32
        %reduce_or3A_58 = arith.constant 0.000000e+00 : f32
        %reduce_or3A_59 = vector.broadcast %reduce_or3A : f32 to vector<16xf32>
        %reduce_or3A_60 = vector.broadcast %reduce_or3A_58 : f32 to vector<16xf32>
        %reduce_or3A_61 = arith.select %ge3A_57, %reduce_or3A_59, %reduce_or3A_60 : vector<16xi1>, vector<16xf32>
        %reduce_or3A_62 = arith.constant true
        %reduce_or3A_63 = vector.broadcast %reduce_or3A_62 : i1 to vector<16xi1>
        %reduce_or3A_64 = tpu.scan <max>, %reduce_or3A_61 masked %reduce_or3A_63 : vector<16xf32>, vector<16xi1> -> vector<16xf32>
        %reduce_or3A_65 = vector.extract %reduce_or3A_64[15] : f32 from vector<16xf32>
        %reduce_or3A_66 = arith.constant 0.000000e+00 : f32
        %reduce_or3A_67 = arith.cmpf ogt, %reduce_or3A_65, %reduce_or3A_66 : f32
        %all_reduce_ffs3A = tpu.all_reduce %ge3A_57 {dim = 0 : i64, kind = #tpu.reduction_kind<find_first_set>} : vector<16xi1> -> vector<16xi32>
        %min3A = arith.constant 15 : i32
        %min3A_68 = vector.broadcast %min3A : i32 to vector<16xi32>
        %min3A_69 = arith.minsi %all_reduce_ffs3A, %min3A_68 : vector<16xi32>
        %rev3A_70 = arith.constant 15 : i32
        %rev3A_71 = vector.broadcast %rev3A_70 : i32 to vector<16xi32>
        %rev3A_72 = tpu.iota {dimensions = array<i32: 0>} : vector<16xi32>
        %rev3A_73 = arith.subi %rev3A_71, %rev3A_72 : vector<16xi32>
        %rev3A_74 = tpu.dynamic_gather %get3A_43[%rev3A_73] in [0] : vector<16xi32>, vector<16xi32> -> vector<16xi32>
        %broadcast_in_dim3A_75 = arith.constant true
        %broadcast_in_dim3A_76 = vector.broadcast %broadcast_in_dim3A_75 : i1 to vector<16xi1>
        %masked_cumsum3A_77 = tpu.scan <sum>, %rev3A_74 masked %broadcast_in_dim3A_76 : vector<16xi32>, vector<16xi1> -> vector<16xi32>
        %add3A_78 = arith.addi %masked_cumsum3A_77, %gather3A_55 : vector<16xi32>
        %ge3A_79 = arith.constant 102 : i32
        %ge3A_80 = vector.broadcast %ge3A_79 : i32 to vector<16xi32>
        %ge3A_81 = arith.cmpi sge, %add3A_78, %ge3A_80 : vector<16xi32>
        %all_reduce_ffs3A_82 = tpu.all_reduce %ge3A_81 {dim = 0 : i64, kind = #tpu.reduction_kind<find_first_set>} : vector<16xi1> -> vector<16xi32>
        %min3A_83 = arith.constant 15 : i32
        %min3A_84 = vector.broadcast %min3A_83 : i32 to vector<16xi32>
        %min3A_85 = arith.minsi %all_reduce_ffs3A_82, %min3A_84 : vector<16xi32>
        %sub3A = arith.constant 31 : i32
        %sub3A_86 = vector.broadcast %sub3A : i32 to vector<16xi32>
        %sub3A_87 = arith.subi %sub3A_86, %min3A_69 : vector<16xi32>
        %sub3A_88 = arith.constant 15 : i32
        %sub3A_89 = vector.broadcast %sub3A_88 : i32 to vector<16xi32>
        %sub3A_90 = arith.subi %sub3A_89, %min3A_85 : vector<16xi32>
        %select_n3A = arith.select %reduce_or3A_67, %sub3A_87, %sub3A_90 : vector<16xi32>
        %sub3A_91 = arith.subi %masked_cumsum3A, %rev3A_49 : vector<16xi32>
        %broadcast_in_dim3A_92 = vector.shape_cast %min3A_69 : vector<16xi32> to vector<16x1xi32>
        %gather3A_93 = vector.shape_cast %broadcast_in_dim3A_92 : vector<16x1xi32> to vector<16xi32>
        %gather3A_94 = tpu.dynamic_gather %sub3A_91[%gather3A_93] in [0] : vector<16xi32>, vector<16xi32> -> vector<16xi32>
        %sub3A_95 = arith.subi %add3A_78, %rev3A_74 : vector<16xi32>
        %broadcast_in_dim3A_96 = vector.shape_cast %min3A_85 : vector<16xi32> to vector<16x1xi32>
        %gather3A_97 = vector.shape_cast %broadcast_in_dim3A_96 : vector<16x1xi32> to vector<16xi32>
        %gather3A_98 = tpu.dynamic_gather %sub3A_95[%gather3A_97] in [0] : vector<16xi32>, vector<16xi32> -> vector<16xi32>
        %select_n3A_99 = arith.select %reduce_or3A_67, %gather3A_94, %gather3A_98 : vector<16xi32>
        %reduce_max3A = arith.constant true
        %reduce_max3A_100 = vector.broadcast %reduce_max3A : i1 to vector<16xi1>
        %reduce_max3A_101 = arith.constant -2147483648 : i32
        %reduce_max3A_102 = vector.broadcast %reduce_max3A_101 : i32 to vector<16xi32>
        %reduce_max3A_103 = arith.xori %select_n3A, %reduce_max3A_102 : vector<16xi32>
        %reduce_max3A_104 = tpu.scan <max>, %reduce_max3A_103 masked %reduce_max3A_100 : vector<16xi32>, vector<16xi1> -> vector<16xi32>
        %reduce_max3A_105 = arith.xori %reduce_max3A_104, %reduce_max3A_102 : vector<16xi32>
        %reduce_max3A_106 = vector.extract %reduce_max3A_105[15] : i32 from vector<16xi32>
        %mul3A_107 = arith.constant 16 : i32
        %mul3A_108 = arith.muli %reduce_max3A_106, %mul3A_107 : i32
        %get3A_109 = arith.index_cast %mul3A_108 : i32 to index
        %get3A_110 = tpu.vector_load %arg5[%get3A_109] {strides = array<i32>} : memref<512xi32, #tpu.memory_space<vmem>>, vector<16xi32>,
        %rev3A_111 = arith.constant 15 : i32
        %rev3A_112 = vector.broadcast %rev3A_111 : i32 to vector<16xi32>
        %rev3A_113 = tpu.iota {dimensions = array<i32: 0>} : vector<16xi32>
        %rev3A_114 = arith.subi %rev3A_112, %rev3A_113 : vector<16xi32>
        %rev3A_115 = tpu.dynamic_gather %get3A_110[%rev3A_114] in [0] : vector<16xi32>, vector<16xi32> -> vector<16xi32>
        %broadcast_in_dim3A_116 = arith.constant true
        %broadcast_in_dim3A_117 = vector.broadcast %broadcast_in_dim3A_116 : i1 to vector<16xi1>
        %masked_cumsum3A_118 = tpu.scan <sum>, %rev3A_115 masked %broadcast_in_dim3A_117 : vector<16xi32>, vector<16xi1> -> vector<16xi32>
        %add3A_119 = arith.addi %select_n3A_99, %masked_cumsum3A_118 : vector<16xi32>
        %ge3A_120 = arith.constant 102 : i32
        %ge3A_121 = vector.broadcast %ge3A_120 : i32 to vector<16xi32>
        %ge3A_122 = arith.cmpi sge, %add3A_119, %ge3A_121 : vector<16xi32>
        %all_reduce_ffs3A_123 = tpu.all_reduce %ge3A_122 {dim = 0 : i64, kind = #tpu.reduction_kind<find_first_set>} : vector<16xi1> -> vector<16xi32>
        %min3A_124 = arith.constant 15 : i32
        %min3A_125 = vector.broadcast %min3A_124 : i32 to vector<16xi32>
        %min3A_126 = arith.minsi %all_reduce_ffs3A_123, %min3A_125 : vector<16xi32>
        %mul3A_127 = arith.constant 16 : i32
        %mul3A_128 = vector.broadcast %mul3A_127 : i32 to vector<16xi32>
        %mul3A_129 = arith.muli %select_n3A, %mul3A_128 : vector<16xi32>
        %add3A_130 = arith.constant 15 : i32
        %add3A_131 = vector.broadcast %add3A_130 : i32 to vector<16xi32>
        %add3A_132 = arith.addi %mul3A_129, %add3A_131 : vector<16xi32>
        %sub3A_133 = arith.subi %add3A_132, %min3A_126 : vector<16xi32>
        %sub3A_134 = arith.subi %masked_cumsum3A_118, %rev3A_115 : vector<16xi32>
        %broadcast_in_dim3A_135 = vector.shape_cast %min3A_126 : vector<16xi32> to vector<16x1xi32>
        %gather3A_136 = vector.shape_cast %broadcast_in_dim3A_135 : vector<16x1xi32> to vector<16xi32>
        %gather3A_137 = tpu.dynamic_gather %sub3A_134[%gather3A_136] in [0] : vector<16xi32>, vector<16xi32> -> vector<16xi32>
        %add3A_138 = arith.addi %select_n3A_99, %gather3A_137 : vector<16xi32>
        %sub3A_139 = arith.constant 102 : i32
        %sub3A_140 = vector.broadcast %sub3A_139 : i32 to vector<16xi32>
        %sub3A_141 = arith.subi %sub3A_140, %add3A_138 : vector<16xi32>
        %parallel_loop3A_142 = arith.constant 0 : i32
        %parallel_loop3A_143 = arith.constant 64 : i32
        %parallel_loop3A_144 = arith.constant 1 : i32
        scf.for %parallel_loop3A_259 = %parallel_loop3A_142 to %parallel_loop3A_143 step %parallel_loop3A_144  : i32 {
          %parallel_loop3A_260 = arith.constant 16 : i32
          %parallel_loop3A_261 = arith.muli %parallel_loop3A_260, %parallel_loop3A_259 : i32
          %parallel_loop3A_262 = arith.addi %mul3A_30, %parallel_loop3A_261 : i32
          %parallel_loop3A_263 = arith.index_cast %parallel_loop3A_262 : i32 to index
          %parallel_loop3A_264 = tpu.vector_load %arg4[%parallel_loop3A_263] {strides = array<i32>} : memref<8192xf32, #tpu.memory_space<vmem>>, vector<16xf32>,
          %parallel_loop3A_265 = tpu.bitcast %parallel_loop3A_264 : vector<16xf32> -> vector<16xi32>
          %parallel_loop3A_266 = arith.constant 2147483647 : i32
          %parallel_loop3A_267 = vector.broadcast %parallel_loop3A_266 : i32 to vector<16xi32>
          %parallel_loop3A_268 = arith.andi %parallel_loop3A_265, %parallel_loop3A_267 : vector<16xi32>
          %parallel_loop3A_269 = arith.constant 22 : i32
          %parallel_loop3A_270 = vector.broadcast %parallel_loop3A_269 : i32 to vector<16xi32>
          %parallel_loop3A_271 = arith.shrsi %parallel_loop3A_268, %parallel_loop3A_270 : vector<16xi32>
          %parallel_loop3A_272 = arith.cmpi eq, %parallel_loop3A_271, %sub3A_133 : vector<16xi32>
          %parallel_loop3A_273 = arith.constant 13 : i32
          %parallel_loop3A_274 = vector.broadcast %parallel_loop3A_273 : i32 to vector<16xi32>
          %parallel_loop3A_275 = arith.shrsi %parallel_loop3A_268, %parallel_loop3A_274 : vector<16xi32>
          %parallel_loop3A_276 = arith.constant 511 : i32
          %parallel_loop3A_277 = vector.broadcast %parallel_loop3A_276 : i32 to vector<16xi32>
          %parallel_loop3A_278 = arith.andi %parallel_loop3A_275, %parallel_loop3A_277 : vector<16xi32>
          tpu.vector_store_idx %arg7[%parallel_loop3A_278], %broadcast_in_dim3A_3 masked %parallel_loop3A_272 {add = true} : memref<512xi32, #tpu.memory_space<vmem>>[vector<16xi32>], vector<16xi32>, vector<16xi1>
          %parallel_loop3A_279 = arith.constant 17 : i32
          %parallel_loop3A_280 = vector.broadcast %parallel_loop3A_279 : i32 to vector<16xi32>
          %parallel_loop3A_281 = arith.shrsi %parallel_loop3A_268, %parallel_loop3A_280 : vector<16xi32>
          %parallel_loop3A_282 = arith.constant 31 : i32
          %parallel_loop3A_283 = vector.broadcast %parallel_loop3A_282 : i32 to vector<16xi32>
          %parallel_loop3A_284 = arith.andi %parallel_loop3A_281, %parallel_loop3A_283 : vector<16xi32>
          tpu.vector_store_idx %arg8[%parallel_loop3A_284], %broadcast_in_dim3A_3 masked %parallel_loop3A_272 {add = true} : memref<32xi32, #tpu.memory_space<vmem>>[vector<16xi32>], vector<16xi32>, vector<16xi1>
        } {sc.loop_unroll_factor = 8 : i64, sc.parallel_access}
        %get3A_145 = arith.constant 0 : index
        %get3A_146 = tpu.vector_load %arg8[%get3A_145] {strides = array<i32>} : memref<32xi32, #tpu.memory_space<vmem>>, vector<16xi32>,
        %get3A_147 = arith.constant 16 : index
        %get3A_148 = tpu.vector_load %arg8[%get3A_147] {strides = array<i32>} : memref<32xi32, #tpu.memory_space<vmem>>, vector<16xi32>,
        %rev3A_149 = arith.constant 15 : i32
        %rev3A_150 = vector.broadcast %rev3A_149 : i32 to vector<16xi32>
        %rev3A_151 = tpu.iota {dimensions = array<i32: 0>} : vector<16xi32>
        %rev3A_152 = arith.subi %rev3A_150, %rev3A_151 : vector<16xi32>
        %rev3A_153 = tpu.dynamic_gather %get3A_148[%rev3A_152] in [0] : vector<16xi32>, vector<16xi32> -> vector<16xi32>
        %broadcast_in_dim3A_154 = arith.constant true
        %broadcast_in_dim3A_155 = vector.broadcast %broadcast_in_dim3A_154 : i1 to vector<16xi1>
        %masked_cumsum3A_156 = tpu.scan <sum>, %rev3A_153 masked %broadcast_in_dim3A_155 : vector<16xi32>, vector<16xi1> -> vector<16xi32>
        %broadcast_in_dim3A_157 = arith.constant 15 : i32
        %broadcast_in_dim3A_158 = vector.broadcast %broadcast_in_dim3A_157 : i32 to vector<16xi32>
        %broadcast_in_dim3A_159 = vector.shape_cast %broadcast_in_dim3A_158 : vector<16xi32> to vector<16x1xi32>
        %gather3A_160 = vector.shape_cast %broadcast_in_dim3A_159 : vector<16x1xi32> to vector<16xi32>
        %gather3A_161 = tpu.dynamic_gather %masked_cumsum3A_156[%gather3A_160] in [0] : vector<16xi32>, vector<16xi32> -> vector<16xi32>
        %ge3A_162 = arith.cmpi sge, %masked_cumsum3A_156, %sub3A_141 : vector<16xi32>
        %reduce_or3A_163 = arith.constant 1.000000e+00 : f32
        %reduce_or3A_164 = arith.constant 0.000000e+00 : f32
        %reduce_or3A_165 = vector.broadcast %reduce_or3A_163 : f32 to vector<16xf32>
        %reduce_or3A_166 = vector.broadcast %reduce_or3A_164 : f32 to vector<16xf32>
        %reduce_or3A_167 = arith.select %ge3A_162, %reduce_or3A_165, %reduce_or3A_166 : vector<16xi1>, vector<16xf32>
        %reduce_or3A_168 = arith.constant true
        %reduce_or3A_169 = vector.broadcast %reduce_or3A_168 : i1 to vector<16xi1>
        %reduce_or3A_170 = tpu.scan <max>, %reduce_or3A_167 masked %reduce_or3A_169 : vector<16xf32>, vector<16xi1> -> vector<16xf32>
        %reduce_or3A_171 = vector.extract %reduce_or3A_170[15] : f32 from vector<16xf32>
        %reduce_or3A_172 = arith.constant 0.000000e+00 : f32
        %reduce_or3A_173 = arith.cmpf ogt, %reduce_or3A_171, %reduce_or3A_172 : f32
        %all_reduce_ffs3A_174 = tpu.all_reduce %ge3A_162 {dim = 0 : i64, kind = #tpu.reduction_kind<find_first_set>} : vector<16xi1> -> vector<16xi32>
        %min3A_175 = arith.constant 15 : i32
        %min3A_176 = vector.broadcast %min3A_175 : i32 to vector<16xi32>
        %min3A_177 = arith.minsi %all_reduce_ffs3A_174, %min3A_176 : vector<16xi32>
        %rev3A_178 = arith.constant 15 : i32
        %rev3A_179 = vector.broadcast %rev3A_178 : i32 to vector<16xi32>
        %rev3A_180 = tpu.iota {dimensions = array<i32: 0>} : vector<16xi32>
        %rev3A_181 = arith.subi %rev3A_179, %rev3A_180 : vector<16xi32>
        %rev3A_182 = tpu.dynamic_gather %get3A_146[%rev3A_181] in [0] : vector<16xi32>, vector<16xi32> -> vector<16xi32>
        %broadcast_in_dim3A_183 = arith.constant true
        %broadcast_in_dim3A_184 = vector.broadcast %broadcast_in_dim3A_183 : i1 to vector<16xi1>
        %masked_cumsum3A_185 = tpu.scan <sum>, %rev3A_182 masked %broadcast_in_dim3A_184 : vector<16xi32>, vector<16xi1> -> vector<16xi32>
        %add3A_186 = arith.addi %masked_cumsum3A_185, %gather3A_161 : vector<16xi32>
        %ge3A_187 = arith.cmpi sge, %add3A_186, %sub3A_141 : vector<16xi32>
        %all_reduce_ffs3A_188 = tpu.all_reduce %ge3A_187 {dim = 0 : i64, kind = #tpu.reduction_kind<find_first_set>} : vector<16xi1> -> vector<16xi32>
        %min3A_189 = arith.constant 15 : i32
        %min3A_190 = vector.broadcast %min3A_189 : i32 to vector<16xi32>
        %min3A_191 = arith.minsi %all_reduce_ffs3A_188, %min3A_190 : vector<16xi32>
        %sub3A_192 = arith.constant 31 : i32
        %sub3A_193 = vector.broadcast %sub3A_192 : i32 to vector<16xi32>
        %sub3A_194 = arith.subi %sub3A_193, %min3A_177 : vector<16xi32>
        %sub3A_195 = arith.constant 15 : i32
        %sub3A_196 = vector.broadcast %sub3A_195 : i32 to vector<16xi32>
        %sub3A_197 = arith.subi %sub3A_196, %min3A_191 : vector<16xi32>
        %select_n3A_198 = arith.select %reduce_or3A_173, %sub3A_194, %sub3A_197 : vector<16xi32>
        %sub3A_199 = arith.subi %masked_cumsum3A_156, %rev3A_153 : vector<16xi32>
        %broadcast_in_dim3A_200 = vector.shape_cast %min3A_177 : vector<16xi32> to vector<16x1xi32>
        %gather3A_201 = vector.shape_cast %broadcast_in_dim3A_200 : vector<16x1xi32> to vector<16xi32>
        %gather3A_202 = tpu.dynamic_gather %sub3A_199[%gather3A_201] in [0] : vector<16xi32>, vector<16xi32> -> vector<16xi32>
        %sub3A_203 = arith.subi %add3A_186, %rev3A_182 : vector<16xi32>
        %broadcast_in_dim3A_204 = vector.shape_cast %min3A_191 : vector<16xi32> to vector<16x1xi32>
        %gather3A_205 = vector.shape_cast %broadcast_in_dim3A_204 : vector<16x1xi32> to vector<16xi32>
        %gather3A_206 = tpu.dynamic_gather %sub3A_203[%gather3A_205] in [0] : vector<16xi32>, vector<16xi32> -> vector<16xi32>
        %select_n3A_207 = arith.select %reduce_or3A_173, %gather3A_202, %gather3A_206 : vector<16xi32>
        %reduce_max3A_208 = arith.constant true
        %reduce_max3A_209 = vector.broadcast %reduce_max3A_208 : i1 to vector<16xi1>
        %reduce_max3A_210 = arith.constant -2147483648 : i32
        %reduce_max3A_211 = vector.broadcast %reduce_max3A_210 : i32 to vector<16xi32>
        %reduce_max3A_212 = arith.xori %select_n3A_198, %reduce_max3A_211 : vector<16xi32>
        %reduce_max3A_213 = tpu.scan <max>, %reduce_max3A_212 masked %reduce_max3A_209 : vector<16xi32>, vector<16xi1> -> vector<16xi32>
        %reduce_max3A_214 = arith.xori %reduce_max3A_213, %reduce_max3A_211 : vector<16xi32>
        %reduce_max3A_215 = vector.extract %reduce_max3A_214[15] : i32 from vector<16xi32>
        %mul3A_216 = arith.constant 16 : i32
        %mul3A_217 = arith.muli %reduce_max3A_215, %mul3A_216 : i32
        %get3A_218 = arith.index_cast %mul3A_217 : i32 to index
        %get3A_219 = tpu.vector_load %arg7[%get3A_218] {strides = array<i32>} : memref<512xi32, #tpu.memory_space<vmem>>, vector<16xi32>,
        %rev3A_220 = arith.constant 15 : i32
        %rev3A_221 = vector.broadcast %rev3A_220 : i32 to vector<16xi32>
        %rev3A_222 = tpu.iota {dimensions = array<i32: 0>} : vector<16xi32>
        %rev3A_223 = arith.subi %rev3A_221, %rev3A_222 : vector<16xi32>
        %rev3A_224 = tpu.dynamic_gather %get3A_219[%rev3A_223] in [0] : vector<16xi32>, vector<16xi32> -> vector<16xi32>
        %broadcast_in_dim3A_225 = arith.constant true
        %broadcast_in_dim3A_226 = vector.broadcast %broadcast_in_dim3A_225 : i1 to vector<16xi1>
        %masked_cumsum3A_227 = tpu.scan <sum>, %rev3A_224 masked %broadcast_in_dim3A_226 : vector<16xi32>, vector<16xi1> -> vector<16xi32>
        %add3A_228 = arith.addi %select_n3A_207, %masked_cumsum3A_227 : vector<16xi32>
        %ge3A_229 = arith.cmpi sge, %add3A_228, %sub3A_141 : vector<16xi32>
        %all_reduce_ffs3A_230 = tpu.all_reduce %ge3A_229 {dim = 0 : i64, kind = #tpu.reduction_kind<find_first_set>} : vector<16xi1> -> vector<16xi32>
        %min3A_231 = arith.constant 15 : i32
        %min3A_232 = vector.broadcast %min3A_231 : i32 to vector<16xi32>
        %min3A_233 = arith.minsi %all_reduce_ffs3A_230, %min3A_232 : vector<16xi32>
        %mul3A_234 = arith.constant 16 : i32
        %mul3A_235 = vector.broadcast %mul3A_234 : i32 to vector<16xi32>
        %mul3A_236 = arith.muli %select_n3A_198, %mul3A_235 : vector<16xi32>
        %add3A_237 = arith.constant 15 : i32
        %add3A_238 = vector.broadcast %add3A_237 : i32 to vector<16xi32>
        %add3A_239 = arith.addi %mul3A_236, %add3A_238 : vector<16xi32>
        %sub3A_240 = arith.subi %add3A_239, %min3A_233 : vector<16xi32>
        %sub3A_241 = arith.subi %masked_cumsum3A_227, %rev3A_224 : vector<16xi32>
        %broadcast_in_dim3A_242 = vector.shape_cast %min3A_233 : vector<16xi32> to vector<16x1xi32>
        %gather3A_243 = vector.shape_cast %broadcast_in_dim3A_242 : vector<16x1xi32> to vector<16xi32>
        %gather3A_244 = tpu.dynamic_gather %sub3A_241[%gather3A_243] in [0] : vector<16xi32>, vector<16xi32> -> vector<16xi32>
        %add3A_245 = arith.addi %select_n3A_207, %gather3A_244 : vector<16xi32>
        %sub3A_246 = arith.subi %sub3A_141, %add3A_245 : vector<16xi32>
        %shift_left3A = arith.constant 22 : i32
        %shift_left3A_247 = vector.broadcast %shift_left3A : i32 to vector<16xi32>
        %shift_left3A_248 = arith.shli %sub3A_133, %shift_left3A_247 : vector<16xi32>
        %shift_left3A_249 = arith.constant 13 : i32
        %shift_left3A_250 = vector.broadcast %shift_left3A_249 : i32 to vector<16xi32>
        %shift_left3A_251 = arith.shli %sub3A_240, %shift_left3A_250 : vector<16xi32>
        %or3A = arith.ori %shift_left3A_248, %shift_left3A_251 : vector<16xi32>
        %mul3A_252 = arith.constant 8 : i32
        %mul3A_253 = arith.muli %scan3A_12, %mul3A_252 : i32
        %add3A_254 = arith.addi %mul3A_253, %scan3A_27 : i32
        %broadcast_in_dim3A_255 = vector.broadcast %add3A_254 : i32 to vector<16xi32>
        %iota3A = tpu.iota {dimensions = array<i32: 0>} : vector<16xi32>
        %eq3A = arith.constant 0 : i32
        %eq3A_256 = vector.broadcast %eq3A : i32 to vector<16xi32>
        %eq3A_257 = arith.cmpi eq, %iota3A, %eq3A_256 : vector<16xi32>
        tpu.vector_store_idx %arg9[%broadcast_in_dim3A_255], %or3A masked %eq3A_257 : memref<208xi32, #tpu.memory_space<vmem>>[vector<16xi32>], vector<16xi32>, vector<16xi1>
        %scan3A_258 = arith.constant 0 : i32
        scf.yield %scan3A_258 : i32
      }
      %scan3A_25 = arith.constant 8 : i32
      %scan3A_26 = arith.constant 0 : i32
      scf.yield %scan3A_26 : i32
    }
    %scan3A_11 = arith.constant 26 : i32
    "tpu.region"() ({
      %run_scoped3A = tpu.sem_alloc : memref<!tpu.dma_semaphore, #tpu.memory_space<semaphore_mem>>
      %dma_start3A = tpu.memref_slice %arg3[%mul3A_2] : memref<6656xi32, #tpu.memory_space<hbm>> -> memref<208xi32, #tpu.memory_space<hbm>>
      %dma_start3A_12 = tpu.memref_slice %arg3[%mul3A_2] : memref<6656xi32, #tpu.memory_space<hbm>> -> memref<208xi32, #tpu.memory_space<hbm>>
      tpu.enqueue_dma source(%arg9 : memref<208xi32, #tpu.memory_space<vmem>>) target(%dma_start3A_12 : memref<208xi32, #tpu.memory_space<hbm>>) target_semaphore(%run_scoped3A : memref<!tpu.dma_semaphore, #tpu.memory_space<semaphore_mem>>)
      %dma_wait3A = tpu.memref_slice %arg3[%mul3A_2] : memref<6656xi32, #tpu.memory_space<hbm>> -> memref<208xi32, #tpu.memory_space<hbm>>
      %dma_wait3A_13 = tpu.memref_slice %arg3[%mul3A_2] : memref<6656xi32, #tpu.memory_space<hbm>> -> memref<208xi32, #tpu.memory_space<hbm>>
      tpu.wait_dma2 semaphore(%run_scoped3A : memref<!tpu.dma_semaphore, #tpu.memory_space<semaphore_mem>>) src(%arg9 : memref<208xi32, #tpu.memory_space<vmem>>) dst(%dma_wait3A_13 : memref<208xi32, #tpu.memory_space<hbm>>)
      tpu.yield
    }) : () -> ()
    return
  }
}

module attributes {stable_mosaic.version = 14 : i64} {
  func.func @_tc_body(%arg0: i32, %arg1: memref<512x1024xf32, #tpu.memory_space<vmem>>, %arg2: memref<512x1024xf32, #tpu.memory_space<vmem>>) attributes {dimension_semantics = [#tpu.dimension_semantics<arbitrary>], iteration_bounds = array<i64: 51>, scalar_prefetch = 0 : i64, scratch_operands = 0 : i64, tpu.core_type = #tpu.core_type<tc>, window_params = [{transform_indices = @transform_0, window_bounds = array<i64: 512, 1024>}, {transform_indices = @transform_1, window_bounds = array<i64: 512, 1024>}]} {
    %get3A = arith.constant 0 : index
    %get3A_0 = arith.constant 0 : index
    %get3A_1 = vector.load %arg1[%get3A, %get3A_0] : memref<512x1024xf32, #tpu.memory_space<vmem>>, vector<512x1024xf32>
    %bitcast_convert_type3A = tpu.bitcast %get3A_1 : vector<512x1024xf32> -> vector<512x1024xi32>
    %and3A = arith.constant 2147483647 : i32
    %and3A_2 = vector.broadcast %and3A : i32 to vector<512x1024xi32>
    %and3A_3 = arith.andi %bitcast_convert_type3A, %and3A_2 : vector<512x1024xi32>
    %broadcast_in_dim3A = arith.constant 1.000000e+00 : f32
    %broadcast_in_dim3A_4 = vector.broadcast %broadcast_in_dim3A : f32 to vector<1024x8xf32>
    %slice3A = vector.extract_strided_slice %and3A_3 {offsets = [0, 0], sizes = [128, 1024], strides = [1, 1]} : vector<512x1024xi32> to vector<128x1024xi32>
    %slice3A_5 = vector.extract_strided_slice %and3A_3 {offsets = [128, 0], sizes = [128, 1024], strides = [1, 1]} : vector<512x1024xi32> to vector<128x1024xi32>
    %slice3A_6 = vector.extract_strided_slice %and3A_3 {offsets = [256, 0], sizes = [128, 1024], strides = [1, 1]} : vector<512x1024xi32> to vector<128x1024xi32>
    %slice3A_7 = vector.extract_strided_slice %and3A_3 {offsets = [384, 0], sizes = [128, 1024], strides = [1, 1]} : vector<512x1024xi32> to vector<128x1024xi32>
    %broadcast_in_dim3A_8 = arith.constant 0 : i32
    %broadcast_in_dim3A_9 = vector.broadcast %broadcast_in_dim3A_8 : i32 to vector<128x1xi32>
    %broadcast_in_dim3A_10 = arith.constant 0 : i32
    %broadcast_in_dim3A_11 = vector.broadcast %broadcast_in_dim3A_10 : i32 to vector<128x1xi32>
    %broadcast_in_dim3A_12 = arith.constant 0 : i32
    %broadcast_in_dim3A_13 = vector.broadcast %broadcast_in_dim3A_12 : i32 to vector<128x1xi32>
    %broadcast_in_dim3A_14 = arith.constant 0 : i32
    %broadcast_in_dim3A_15 = vector.broadcast %broadcast_in_dim3A_14 : i32 to vector<128x1xi32>
    %or3A = arith.constant 1073741824 : i32
    %or3A_16 = vector.broadcast %or3A : i32 to vector<128x1xi32>
    %or3A_17 = arith.ori %broadcast_in_dim3A_9, %or3A_16 : vector<128x1xi32>
    %or3A_18 = arith.constant 1073741824 : i32
    %or3A_19 = vector.broadcast %or3A_18 : i32 to vector<128x1xi32>
    %or3A_20 = arith.ori %broadcast_in_dim3A_11, %or3A_19 : vector<128x1xi32>
    %or3A_21 = arith.constant 1073741824 : i32
    %or3A_22 = vector.broadcast %or3A_21 : i32 to vector<128x1xi32>
    %or3A_23 = arith.ori %broadcast_in_dim3A_13, %or3A_22 : vector<128x1xi32>
    %or3A_24 = arith.constant 1073741824 : i32
    %or3A_25 = vector.broadcast %or3A_24 : i32 to vector<128x1xi32>
    %or3A_26 = arith.ori %broadcast_in_dim3A_15, %or3A_25 : vector<128x1xi32>
    %ge3A = vector.broadcast %or3A_17 : vector<128x1xi32> to vector<128x1024xi32>
    %ge3A_27 = arith.cmpi sge, %slice3A, %ge3A : vector<128x1024xi32>
    %convert_element_type3A = arith.extui %ge3A_27 : vector<128x1024xi1> to vector<128x1024xi32>
    %convert_element_type3A_28 = arith.sitofp %convert_element_type3A : vector<128x1024xi32> to vector<128x1024xf32>
    %ge3A_29 = vector.broadcast %or3A_20 : vector<128x1xi32> to vector<128x1024xi32>
    %ge3A_30 = arith.cmpi sge, %slice3A_5, %ge3A_29 : vector<128x1024xi32>
    %convert_element_type3A_31 = arith.extui %ge3A_30 : vector<128x1024xi1> to vector<128x1024xi32>
    %convert_element_type3A_32 = arith.sitofp %convert_element_type3A_31 : vector<128x1024xi32> to vector<128x1024xf32>
    %ge3A_33 = vector.broadcast %or3A_23 : vector<128x1xi32> to vector<128x1024xi32>
    %ge3A_34 = arith.cmpi sge, %slice3A_6, %ge3A_33 : vector<128x1024xi32>
    %convert_element_type3A_35 = arith.extui %ge3A_34 : vector<128x1024xi1> to vector<128x1024xi32>
    %convert_element_type3A_36 = arith.sitofp %convert_element_type3A_35 : vector<128x1024xi32> to vector<128x1024xf32>
    %ge3A_37 = vector.broadcast %or3A_26 : vector<128x1xi32> to vector<128x1024xi32>
    %ge3A_38 = arith.cmpi sge, %slice3A_7, %ge3A_37 : vector<128x1024xi32>
    %convert_element_type3A_39 = arith.extui %ge3A_38 : vector<128x1024xi1> to vector<128x1024xi32>
    %convert_element_type3A_40 = arith.sitofp %convert_element_type3A_39 : vector<128x1024xi32> to vector<128x1024xf32>
    %dot_general3A = arith.constant dense<0.000000e+00> : vector<128x8xf32>
    %dot_general3A_41 = tpu.matmul %convert_element_type3A_28, %broadcast_in_dim3A_4, %dot_general3A {dimension_numbers = #tpu.dot_dimension_numbers<[1], [0], [0], [1], [0, 0, 1, 1], [], []>, transpose_lhs_hint = false} : vector<128x1024xf32>, vector<1024x8xf32>, vector<128x8xf32> -> vector<128x8xf32>
    %slice3A_42 = vector.extract_strided_slice %dot_general3A_41 {offsets = [0, 0], sizes = [128, 1], strides = [1, 1]} : vector<128x8xf32> to vector<128x1xf32>
    %dot_general3A_43 = arith.constant dense<0.000000e+00> : vector<128x8xf32>
    %dot_general3A_44 = tpu.matmul %convert_element_type3A_32, %broadcast_in_dim3A_4, %dot_general3A_43 {dimension_numbers = #tpu.dot_dimension_numbers<[1], [0], [0], [1], [0, 0, 1, 1], [], []>, transpose_lhs_hint = false} : vector<128x1024xf32>, vector<1024x8xf32>, vector<128x8xf32> -> vector<128x8xf32>
    %slice3A_45 = vector.extract_strided_slice %dot_general3A_44 {offsets = [0, 0], sizes = [128, 1], strides = [1, 1]} : vector<128x8xf32> to vector<128x1xf32>
    %dot_general3A_46 = arith.constant dense<0.000000e+00> : vector<128x8xf32>
    %dot_general3A_47 = tpu.matmul %convert_element_type3A_36, %broadcast_in_dim3A_4, %dot_general3A_46 {dimension_numbers = #tpu.dot_dimension_numbers<[1], [0], [0], [1], [0, 0, 1, 1], [], []>, transpose_lhs_hint = false} : vector<128x1024xf32>, vector<1024x8xf32>, vector<128x8xf32> -> vector<128x8xf32>
    %slice3A_48 = vector.extract_strided_slice %dot_general3A_47 {offsets = [0, 0], sizes = [128, 1], strides = [1, 1]} : vector<128x8xf32> to vector<128x1xf32>
    %dot_general3A_49 = arith.constant dense<0.000000e+00> : vector<128x8xf32>
    %dot_general3A_50 = tpu.matmul %convert_element_type3A_40, %broadcast_in_dim3A_4, %dot_general3A_49 {dimension_numbers = #tpu.dot_dimension_numbers<[1], [0], [0], [1], [0, 0, 1, 1], [], []>, transpose_lhs_hint = false} : vector<128x1024xf32>, vector<1024x8xf32>, vector<128x8xf32> -> vector<128x8xf32>
    %slice3A_51 = vector.extract_strided_slice %dot_general3A_50 {offsets = [0, 0], sizes = [128, 1], strides = [1, 1]} : vector<128x8xf32> to vector<128x1xf32>
    %ge3A_52 = arith.constant 1.020000e+02 : f32
    %ge3A_53 = vector.broadcast %ge3A_52 : f32 to vector<128x1xf32>
    %ge3A_54 = arith.cmpf oge, %slice3A_42, %ge3A_53 : vector<128x1xf32>
    %select_n3A = arith.select %ge3A_54, %or3A_17, %broadcast_in_dim3A_9 : vector<128x1xi1>, vector<128x1xi32>
    %ge3A_55 = arith.constant 1.020000e+02 : f32
    %ge3A_56 = vector.broadcast %ge3A_55 : f32 to vector<128x1xf32>
    %ge3A_57 = arith.cmpf oge, %slice3A_45, %ge3A_56 : vector<128x1xf32>
    %select_n3A_58 = arith.select %ge3A_57, %or3A_20, %broadcast_in_dim3A_11 : vector<128x1xi1>, vector<128x1xi32>
    %ge3A_59 = arith.constant 1.020000e+02 : f32
    %ge3A_60 = vector.broadcast %ge3A_59 : f32 to vector<128x1xf32>
    %ge3A_61 = arith.cmpf oge, %slice3A_48, %ge3A_60 : vector<128x1xf32>
    %select_n3A_62 = arith.select %ge3A_61, %or3A_23, %broadcast_in_dim3A_13 : vector<128x1xi1>, vector<128x1xi32>
    %ge3A_63 = arith.constant 1.020000e+02 : f32
    %ge3A_64 = vector.broadcast %ge3A_63 : f32 to vector<128x1xf32>
    %ge3A_65 = arith.cmpf oge, %slice3A_51, %ge3A_64 : vector<128x1xf32>
    %select_n3A_66 = arith.select %ge3A_65, %or3A_26, %broadcast_in_dim3A_15 : vector<128x1xi1>, vector<128x1xi32>
    %or3A_67 = arith.constant 536870912 : i32
    %or3A_68 = vector.broadcast %or3A_67 : i32 to vector<128x1xi32>
    %or3A_69 = arith.ori %select_n3A, %or3A_68 : vector<128x1xi32>
    %or3A_70 = arith.constant 536870912 : i32
    %or3A_71 = vector.broadcast %or3A_70 : i32 to vector<128x1xi32>
    %or3A_72 = arith.ori %select_n3A_58, %or3A_71 : vector<128x1xi32>
    %or3A_73 = arith.constant 536870912 : i32
    %or3A_74 = vector.broadcast %or3A_73 : i32 to vector<128x1xi32>
    %or3A_75 = arith.ori %select_n3A_62, %or3A_74 : vector<128x1xi32>
    %or3A_76 = arith.constant 536870912 : i32
    %or3A_77 = vector.broadcast %or3A_76 : i32 to vector<128x1xi32>
    %or3A_78 = arith.ori %select_n3A_66, %or3A_77 : vector<128x1xi32>
    %ge3A_79 = vector.broadcast %or3A_69 : vector<128x1xi32> to vector<128x1024xi32>
    %ge3A_80 = arith.cmpi sge, %slice3A, %ge3A_79 : vector<128x1024xi32>
    %convert_element_type3A_81 = arith.extui %ge3A_80 : vector<128x1024xi1> to vector<128x1024xi32>
    %convert_element_type3A_82 = arith.sitofp %convert_element_type3A_81 : vector<128x1024xi32> to vector<128x1024xf32>
    %ge3A_83 = vector.broadcast %or3A_72 : vector<128x1xi32> to vector<128x1024xi32>
    %ge3A_84 = arith.cmpi sge, %slice3A_5, %ge3A_83 : vector<128x1024xi32>
    %convert_element_type3A_85 = arith.extui %ge3A_84 : vector<128x1024xi1> to vector<128x1024xi32>
    %convert_element_type3A_86 = arith.sitofp %convert_element_type3A_85 : vector<128x1024xi32> to vector<128x1024xf32>
    %ge3A_87 = vector.broadcast %or3A_75 : vector<128x1xi32> to vector<128x1024xi32>
    %ge3A_88 = arith.cmpi sge, %slice3A_6, %ge3A_87 : vector<128x1024xi32>
    %convert_element_type3A_89 = arith.extui %ge3A_88 : vector<128x1024xi1> to vector<128x1024xi32>
    %convert_element_type3A_90 = arith.sitofp %convert_element_type3A_89 : vector<128x1024xi32> to vector<128x1024xf32>
    %ge3A_91 = vector.broadcast %or3A_78 : vector<128x1xi32> to vector<128x1024xi32>
    %ge3A_92 = arith.cmpi sge, %slice3A_7, %ge3A_91 : vector<128x1024xi32>
    %convert_element_type3A_93 = arith.extui %ge3A_92 : vector<128x1024xi1> to vector<128x1024xi32>
    %convert_element_type3A_94 = arith.sitofp %convert_element_type3A_93 : vector<128x1024xi32> to vector<128x1024xf32>
    %dot_general3A_95 = arith.constant dense<0.000000e+00> : vector<128x8xf32>
    %dot_general3A_96 = tpu.matmul %convert_element_type3A_82, %broadcast_in_dim3A_4, %dot_general3A_95 {dimension_numbers = #tpu.dot_dimension_numbers<[1], [0], [0], [1], [0, 0, 1, 1], [], []>, transpose_lhs_hint = false} : vector<128x1024xf32>, vector<1024x8xf32>, vector<128x8xf32> -> vector<128x8xf32>
    %slice3A_97 = vector.extract_strided_slice %dot_general3A_96 {offsets = [0, 0], sizes = [128, 1], strides = [1, 1]} : vector<128x8xf32> to vector<128x1xf32>
    %dot_general3A_98 = arith.constant dense<0.000000e+00> : vector<128x8xf32>
    %dot_general3A_99 = tpu.matmul %convert_element_type3A_86, %broadcast_in_dim3A_4, %dot_general3A_98 {dimension_numbers = #tpu.dot_dimension_numbers<[1], [0], [0], [1], [0, 0, 1, 1], [], []>, transpose_lhs_hint = false} : vector<128x1024xf32>, vector<1024x8xf32>, vector<128x8xf32> -> vector<128x8xf32>
    %slice3A_100 = vector.extract_strided_slice %dot_general3A_99 {offsets = [0, 0], sizes = [128, 1], strides = [1, 1]} : vector<128x8xf32> to vector<128x1xf32>
    %dot_general3A_101 = arith.constant dense<0.000000e+00> : vector<128x8xf32>
    %dot_general3A_102 = tpu.matmul %convert_element_type3A_90, %broadcast_in_dim3A_4, %dot_general3A_101 {dimension_numbers = #tpu.dot_dimension_numbers<[1], [0], [0], [1], [0, 0, 1, 1], [], []>, transpose_lhs_hint = false} : vector<128x1024xf32>, vector<1024x8xf32>, vector<128x8xf32> -> vector<128x8xf32>
    %slice3A_103 = vector.extract_strided_slice %dot_general3A_102 {offsets = [0, 0], sizes = [128, 1], strides = [1, 1]} : vector<128x8xf32> to vector<128x1xf32>
    %dot_general3A_104 = arith.constant dense<0.000000e+00> : vector<128x8xf32>
    %dot_general3A_105 = tpu.matmul %convert_element_type3A_94, %broadcast_in_dim3A_4, %dot_general3A_104 {dimension_numbers = #tpu.dot_dimension_numbers<[1], [0], [0], [1], [0, 0, 1, 1], [], []>, transpose_lhs_hint = false} : vector<128x1024xf32>, vector<1024x8xf32>, vector<128x8xf32> -> vector<128x8xf32>
    %slice3A_106 = vector.extract_strided_slice %dot_general3A_105 {offsets = [0, 0], sizes = [128, 1], strides = [1, 1]} : vector<128x8xf32> to vector<128x1xf32>
    %ge3A_107 = arith.constant 1.020000e+02 : f32
    %ge3A_108 = vector.broadcast %ge3A_107 : f32 to vector<128x1xf32>
    %ge3A_109 = arith.cmpf oge, %slice3A_97, %ge3A_108 : vector<128x1xf32>
    %select_n3A_110 = arith.select %ge3A_109, %or3A_69, %select_n3A : vector<128x1xi1>, vector<128x1xi32>
    %ge3A_111 = arith.constant 1.020000e+02 : f32
    %ge3A_112 = vector.broadcast %ge3A_111 : f32 to vector<128x1xf32>
    %ge3A_113 = arith.cmpf oge, %slice3A_100, %ge3A_112 : vector<128x1xf32>
    %select_n3A_114 = arith.select %ge3A_113, %or3A_72, %select_n3A_58 : vector<128x1xi1>, vector<128x1xi32>
    %ge3A_115 = arith.constant 1.020000e+02 : f32
    %ge3A_116 = vector.broadcast %ge3A_115 : f32 to vector<128x1xf32>
    %ge3A_117 = arith.cmpf oge, %slice3A_103, %ge3A_116 : vector<128x1xf32>
    %select_n3A_118 = arith.select %ge3A_117, %or3A_75, %select_n3A_62 : vector<128x1xi1>, vector<128x1xi32>
    %ge3A_119 = arith.constant 1.020000e+02 : f32
    %ge3A_120 = vector.broadcast %ge3A_119 : f32 to vector<128x1xf32>
    %ge3A_121 = arith.cmpf oge, %slice3A_106, %ge3A_120 : vector<128x1xf32>
    %select_n3A_122 = arith.select %ge3A_121, %or3A_78, %select_n3A_66 : vector<128x1xi1>, vector<128x1xi32>
    %or3A_123 = arith.constant 268435456 : i32
    %or3A_124 = vector.broadcast %or3A_123 : i32 to vector<128x1xi32>
    %or3A_125 = arith.ori %select_n3A_110, %or3A_124 : vector<128x1xi32>
    %or3A_126 = arith.constant 268435456 : i32
    %or3A_127 = vector.broadcast %or3A_126 : i32 to vector<128x1xi32>
    %or3A_128 = arith.ori %select_n3A_114, %or3A_127 : vector<128x1xi32>
    %or3A_129 = arith.constant 268435456 : i32
    %or3A_130 = vector.broadcast %or3A_129 : i32 to vector<128x1xi32>
    %or3A_131 = arith.ori %select_n3A_118, %or3A_130 : vector<128x1xi32>
    %or3A_132 = arith.constant 268435456 : i32
    %or3A_133 = vector.broadcast %or3A_132 : i32 to vector<128x1xi32>
    %or3A_134 = arith.ori %select_n3A_122, %or3A_133 : vector<128x1xi32>
    %ge3A_135 = vector.broadcast %or3A_125 : vector<128x1xi32> to vector<128x1024xi32>
    %ge3A_136 = arith.cmpi sge, %slice3A, %ge3A_135 : vector<128x1024xi32>
    %convert_element_type3A_137 = arith.extui %ge3A_136 : vector<128x1024xi1> to vector<128x1024xi32>
    %convert_element_type3A_138 = arith.sitofp %convert_element_type3A_137 : vector<128x1024xi32> to vector<128x1024xf32>
    %ge3A_139 = vector.broadcast %or3A_128 : vector<128x1xi32> to vector<128x1024xi32>
    %ge3A_140 = arith.cmpi sge, %slice3A_5, %ge3A_139 : vector<128x1024xi32>
    %convert_element_type3A_141 = arith.extui %ge3A_140 : vector<128x1024xi1> to vector<128x1024xi32>
    %convert_element_type3A_142 = arith.sitofp %convert_element_type3A_141 : vector<128x1024xi32> to vector<128x1024xf32>
    %ge3A_143 = vector.broadcast %or3A_131 : vector<128x1xi32> to vector<128x1024xi32>
    %ge3A_144 = arith.cmpi sge, %slice3A_6, %ge3A_143 : vector<128x1024xi32>
    %convert_element_type3A_145 = arith.extui %ge3A_144 : vector<128x1024xi1> to vector<128x1024xi32>
    %convert_element_type3A_146 = arith.sitofp %convert_element_type3A_145 : vector<128x1024xi32> to vector<128x1024xf32>
    %ge3A_147 = vector.broadcast %or3A_134 : vector<128x1xi32> to vector<128x1024xi32>
    %ge3A_148 = arith.cmpi sge, %slice3A_7, %ge3A_147 : vector<128x1024xi32>
    %convert_element_type3A_149 = arith.extui %ge3A_148 : vector<128x1024xi1> to vector<128x1024xi32>
    %convert_element_type3A_150 = arith.sitofp %convert_element_type3A_149 : vector<128x1024xi32> to vector<128x1024xf32>
    %dot_general3A_151 = arith.constant dense<0.000000e+00> : vector<128x8xf32>
    %dot_general3A_152 = tpu.matmul %convert_element_type3A_138, %broadcast_in_dim3A_4, %dot_general3A_151 {dimension_numbers = #tpu.dot_dimension_numbers<[1], [0], [0], [1], [0, 0, 1, 1], [], []>, transpose_lhs_hint = false} : vector<128x1024xf32>, vector<1024x8xf32>, vector<128x8xf32> -> vector<128x8xf32>
    %slice3A_153 = vector.extract_strided_slice %dot_general3A_152 {offsets = [0, 0], sizes = [128, 1], strides = [1, 1]} : vector<128x8xf32> to vector<128x1xf32>
    %dot_general3A_154 = arith.constant dense<0.000000e+00> : vector<128x8xf32>
    %dot_general3A_155 = tpu.matmul %convert_element_type3A_142, %broadcast_in_dim3A_4, %dot_general3A_154 {dimension_numbers = #tpu.dot_dimension_numbers<[1], [0], [0], [1], [0, 0, 1, 1], [], []>, transpose_lhs_hint = false} : vector<128x1024xf32>, vector<1024x8xf32>, vector<128x8xf32> -> vector<128x8xf32>
    %slice3A_156 = vector.extract_strided_slice %dot_general3A_155 {offsets = [0, 0], sizes = [128, 1], strides = [1, 1]} : vector<128x8xf32> to vector<128x1xf32>
    %dot_general3A_157 = arith.constant dense<0.000000e+00> : vector<128x8xf32>
    %dot_general3A_158 = tpu.matmul %convert_element_type3A_146, %broadcast_in_dim3A_4, %dot_general3A_157 {dimension_numbers = #tpu.dot_dimension_numbers<[1], [0], [0], [1], [0, 0, 1, 1], [], []>, transpose_lhs_hint = false} : vector<128x1024xf32>, vector<1024x8xf32>, vector<128x8xf32> -> vector<128x8xf32>
    %slice3A_159 = vector.extract_strided_slice %dot_general3A_158 {offsets = [0, 0], sizes = [128, 1], strides = [1, 1]} : vector<128x8xf32> to vector<128x1xf32>
    %dot_general3A_160 = arith.constant dense<0.000000e+00> : vector<128x8xf32>
    %dot_general3A_161 = tpu.matmul %convert_element_type3A_150, %broadcast_in_dim3A_4, %dot_general3A_160 {dimension_numbers = #tpu.dot_dimension_numbers<[1], [0], [0], [1], [0, 0, 1, 1], [], []>, transpose_lhs_hint = false} : vector<128x1024xf32>, vector<1024x8xf32>, vector<128x8xf32> -> vector<128x8xf32>
    %slice3A_162 = vector.extract_strided_slice %dot_general3A_161 {offsets = [0, 0], sizes = [128, 1], strides = [1, 1]} : vector<128x8xf32> to vector<128x1xf32>
    %ge3A_163 = arith.constant 1.020000e+02 : f32
    %ge3A_164 = vector.broadcast %ge3A_163 : f32 to vector<128x1xf32>
    %ge3A_165 = arith.cmpf oge, %slice3A_153, %ge3A_164 : vector<128x1xf32>
    %select_n3A_166 = arith.select %ge3A_165, %or3A_125, %select_n3A_110 : vector<128x1xi1>, vector<128x1xi32>
    %ge3A_167 = arith.constant 1.020000e+02 : f32
    %ge3A_168 = vector.broadcast %ge3A_167 : f32 to vector<128x1xf32>
    %ge3A_169 = arith.cmpf oge, %slice3A_156, %ge3A_168 : vector<128x1xf32>
    %select_n3A_170 = arith.select %ge3A_169, %or3A_128, %select_n3A_114 : vector<128x1xi1>, vector<128x1xi32>
    %ge3A_171 = arith.constant 1.020000e+02 : f32
    %ge3A_172 = vector.broadcast %ge3A_171 : f32 to vector<128x1xf32>
    %ge3A_173 = arith.cmpf oge, %slice3A_159, %ge3A_172 : vector<128x1xf32>
    %select_n3A_174 = arith.select %ge3A_173, %or3A_131, %select_n3A_118 : vector<128x1xi1>, vector<128x1xi32>
    %ge3A_175 = arith.constant 1.020000e+02 : f32
    %ge3A_176 = vector.broadcast %ge3A_175 : f32 to vector<128x1xf32>
    %ge3A_177 = arith.cmpf oge, %slice3A_162, %ge3A_176 : vector<128x1xf32>
    %select_n3A_178 = arith.select %ge3A_177, %or3A_134, %select_n3A_122 : vector<128x1xi1>, vector<128x1xi32>
    %or3A_179 = arith.constant 134217728 : i32
    %or3A_180 = vector.broadcast %or3A_179 : i32 to vector<128x1xi32>
    %or3A_181 = arith.ori %select_n3A_166, %or3A_180 : vector<128x1xi32>
    %or3A_182 = arith.constant 134217728 : i32
    %or3A_183 = vector.broadcast %or3A_182 : i32 to vector<128x1xi32>
    %or3A_184 = arith.ori %select_n3A_170, %or3A_183 : vector<128x1xi32>
    %or3A_185 = arith.constant 134217728 : i32
    %or3A_186 = vector.broadcast %or3A_185 : i32 to vector<128x1xi32>
    %or3A_187 = arith.ori %select_n3A_174, %or3A_186 : vector<128x1xi32>
    %or3A_188 = arith.constant 134217728 : i32
    %or3A_189 = vector.broadcast %or3A_188 : i32 to vector<128x1xi32>
    %or3A_190 = arith.ori %select_n3A_178, %or3A_189 : vector<128x1xi32>
    %ge3A_191 = vector.broadcast %or3A_181 : vector<128x1xi32> to vector<128x1024xi32>
    %ge3A_192 = arith.cmpi sge, %slice3A, %ge3A_191 : vector<128x1024xi32>
    %convert_element_type3A_193 = arith.extui %ge3A_192 : vector<128x1024xi1> to vector<128x1024xi32>
    %convert_element_type3A_194 = arith.sitofp %convert_element_type3A_193 : vector<128x1024xi32> to vector<128x1024xf32>
    %ge3A_195 = vector.broadcast %or3A_184 : vector<128x1xi32> to vector<128x1024xi32>
    %ge3A_196 = arith.cmpi sge, %slice3A_5, %ge3A_195 : vector<128x1024xi32>
    %convert_element_type3A_197 = arith.extui %ge3A_196 : vector<128x1024xi1> to vector<128x1024xi32>
    %convert_element_type3A_198 = arith.sitofp %convert_element_type3A_197 : vector<128x1024xi32> to vector<128x1024xf32>
    %ge3A_199 = vector.broadcast %or3A_187 : vector<128x1xi32> to vector<128x1024xi32>
    %ge3A_200 = arith.cmpi sge, %slice3A_6, %ge3A_199 : vector<128x1024xi32>
    %convert_element_type3A_201 = arith.extui %ge3A_200 : vector<128x1024xi1> to vector<128x1024xi32>
    %convert_element_type3A_202 = arith.sitofp %convert_element_type3A_201 : vector<128x1024xi32> to vector<128x1024xf32>
    %ge3A_203 = vector.broadcast %or3A_190 : vector<128x1xi32> to vector<128x1024xi32>
    %ge3A_204 = arith.cmpi sge, %slice3A_7, %ge3A_203 : vector<128x1024xi32>
    %convert_element_type3A_205 = arith.extui %ge3A_204 : vector<128x1024xi1> to vector<128x1024xi32>
    %convert_element_type3A_206 = arith.sitofp %convert_element_type3A_205 : vector<128x1024xi32> to vector<128x1024xf32>
    %dot_general3A_207 = arith.constant dense<0.000000e+00> : vector<128x8xf32>
    %dot_general3A_208 = tpu.matmul %convert_element_type3A_194, %broadcast_in_dim3A_4, %dot_general3A_207 {dimension_numbers = #tpu.dot_dimension_numbers<[1], [0], [0], [1], [0, 0, 1, 1], [], []>, transpose_lhs_hint = false} : vector<128x1024xf32>, vector<1024x8xf32>, vector<128x8xf32> -> vector<128x8xf32>
    %slice3A_209 = vector.extract_strided_slice %dot_general3A_208 {offsets = [0, 0], sizes = [128, 1], strides = [1, 1]} : vector<128x8xf32> to vector<128x1xf32>
    %dot_general3A_210 = arith.constant dense<0.000000e+00> : vector<128x8xf32>
    %dot_general3A_211 = tpu.matmul %convert_element_type3A_198, %broadcast_in_dim3A_4, %dot_general3A_210 {dimension_numbers = #tpu.dot_dimension_numbers<[1], [0], [0], [1], [0, 0, 1, 1], [], []>, transpose_lhs_hint = false} : vector<128x1024xf32>, vector<1024x8xf32>, vector<128x8xf32> -> vector<128x8xf32>
    %slice3A_212 = vector.extract_strided_slice %dot_general3A_211 {offsets = [0, 0], sizes = [128, 1], strides = [1, 1]} : vector<128x8xf32> to vector<128x1xf32>
    %dot_general3A_213 = arith.constant dense<0.000000e+00> : vector<128x8xf32>
    %dot_general3A_214 = tpu.matmul %convert_element_type3A_202, %broadcast_in_dim3A_4, %dot_general3A_213 {dimension_numbers = #tpu.dot_dimension_numbers<[1], [0], [0], [1], [0, 0, 1, 1], [], []>, transpose_lhs_hint = false} : vector<128x1024xf32>, vector<1024x8xf32>, vector<128x8xf32> -> vector<128x8xf32>
    %slice3A_215 = vector.extract_strided_slice %dot_general3A_214 {offsets = [0, 0], sizes = [128, 1], strides = [1, 1]} : vector<128x8xf32> to vector<128x1xf32>
    %dot_general3A_216 = arith.constant dense<0.000000e+00> : vector<128x8xf32>
    %dot_general3A_217 = tpu.matmul %convert_element_type3A_206, %broadcast_in_dim3A_4, %dot_general3A_216 {dimension_numbers = #tpu.dot_dimension_numbers<[1], [0], [0], [1], [0, 0, 1, 1], [], []>, transpose_lhs_hint = false} : vector<128x1024xf32>, vector<1024x8xf32>, vector<128x8xf32> -> vector<128x8xf32>
    %slice3A_218 = vector.extract_strided_slice %dot_general3A_217 {offsets = [0, 0], sizes = [128, 1], strides = [1, 1]} : vector<128x8xf32> to vector<128x1xf32>
    %ge3A_219 = arith.constant 1.020000e+02 : f32
    %ge3A_220 = vector.broadcast %ge3A_219 : f32 to vector<128x1xf32>
    %ge3A_221 = arith.cmpf oge, %slice3A_209, %ge3A_220 : vector<128x1xf32>
    %select_n3A_222 = arith.select %ge3A_221, %or3A_181, %select_n3A_166 : vector<128x1xi1>, vector<128x1xi32>
    %ge3A_223 = arith.constant 1.020000e+02 : f32
    %ge3A_224 = vector.broadcast %ge3A_223 : f32 to vector<128x1xf32>
    %ge3A_225 = arith.cmpf oge, %slice3A_212, %ge3A_224 : vector<128x1xf32>
    %select_n3A_226 = arith.select %ge3A_225, %or3A_184, %select_n3A_170 : vector<128x1xi1>, vector<128x1xi32>
    %ge3A_227 = arith.constant 1.020000e+02 : f32
    %ge3A_228 = vector.broadcast %ge3A_227 : f32 to vector<128x1xf32>
    %ge3A_229 = arith.cmpf oge, %slice3A_215, %ge3A_228 : vector<128x1xf32>
    %select_n3A_230 = arith.select %ge3A_229, %or3A_187, %select_n3A_174 : vector<128x1xi1>, vector<128x1xi32>
    %ge3A_231 = arith.constant 1.020000e+02 : f32
    %ge3A_232 = vector.broadcast %ge3A_231 : f32 to vector<128x1xf32>
    %ge3A_233 = arith.cmpf oge, %slice3A_218, %ge3A_232 : vector<128x1xf32>
    %select_n3A_234 = arith.select %ge3A_233, %or3A_190, %select_n3A_178 : vector<128x1xi1>, vector<128x1xi32>
    %or3A_235 = arith.constant 67108864 : i32
    %or3A_236 = vector.broadcast %or3A_235 : i32 to vector<128x1xi32>
    %or3A_237 = arith.ori %select_n3A_222, %or3A_236 : vector<128x1xi32>
    %or3A_238 = arith.constant 67108864 : i32
    %or3A_239 = vector.broadcast %or3A_238 : i32 to vector<128x1xi32>
    %or3A_240 = arith.ori %select_n3A_226, %or3A_239 : vector<128x1xi32>
    %or3A_241 = arith.constant 67108864 : i32
    %or3A_242 = vector.broadcast %or3A_241 : i32 to vector<128x1xi32>
    %or3A_243 = arith.ori %select_n3A_230, %or3A_242 : vector<128x1xi32>
    %or3A_244 = arith.constant 67108864 : i32
    %or3A_245 = vector.broadcast %or3A_244 : i32 to vector<128x1xi32>
    %or3A_246 = arith.ori %select_n3A_234, %or3A_245 : vector<128x1xi32>
    %ge3A_247 = vector.broadcast %or3A_237 : vector<128x1xi32> to vector<128x1024xi32>
    %ge3A_248 = arith.cmpi sge, %slice3A, %ge3A_247 : vector<128x1024xi32>
    %convert_element_type3A_249 = arith.extui %ge3A_248 : vector<128x1024xi1> to vector<128x1024xi32>
    %convert_element_type3A_250 = arith.sitofp %convert_element_type3A_249 : vector<128x1024xi32> to vector<128x1024xf32>
    %ge3A_251 = vector.broadcast %or3A_240 : vector<128x1xi32> to vector<128x1024xi32>
    %ge3A_252 = arith.cmpi sge, %slice3A_5, %ge3A_251 : vector<128x1024xi32>
    %convert_element_type3A_253 = arith.extui %ge3A_252 : vector<128x1024xi1> to vector<128x1024xi32>
    %convert_element_type3A_254 = arith.sitofp %convert_element_type3A_253 : vector<128x1024xi32> to vector<128x1024xf32>
    %ge3A_255 = vector.broadcast %or3A_243 : vector<128x1xi32> to vector<128x1024xi32>
    %ge3A_256 = arith.cmpi sge, %slice3A_6, %ge3A_255 : vector<128x1024xi32>
    %convert_element_type3A_257 = arith.extui %ge3A_256 : vector<128x1024xi1> to vector<128x1024xi32>
    %convert_element_type3A_258 = arith.sitofp %convert_element_type3A_257 : vector<128x1024xi32> to vector<128x1024xf32>
    %ge3A_259 = vector.broadcast %or3A_246 : vector<128x1xi32> to vector<128x1024xi32>
    %ge3A_260 = arith.cmpi sge, %slice3A_7, %ge3A_259 : vector<128x1024xi32>
    %convert_element_type3A_261 = arith.extui %ge3A_260 : vector<128x1024xi1> to vector<128x1024xi32>
    %convert_element_type3A_262 = arith.sitofp %convert_element_type3A_261 : vector<128x1024xi32> to vector<128x1024xf32>
    %dot_general3A_263 = arith.constant dense<0.000000e+00> : vector<128x8xf32>
    %dot_general3A_264 = tpu.matmul %convert_element_type3A_250, %broadcast_in_dim3A_4, %dot_general3A_263 {dimension_numbers = #tpu.dot_dimension_numbers<[1], [0], [0], [1], [0, 0, 1, 1], [], []>, transpose_lhs_hint = false} : vector<128x1024xf32>, vector<1024x8xf32>, vector<128x8xf32> -> vector<128x8xf32>
    %slice3A_265 = vector.extract_strided_slice %dot_general3A_264 {offsets = [0, 0], sizes = [128, 1], strides = [1, 1]} : vector<128x8xf32> to vector<128x1xf32>
    %dot_general3A_266 = arith.constant dense<0.000000e+00> : vector<128x8xf32>
    %dot_general3A_267 = tpu.matmul %convert_element_type3A_254, %broadcast_in_dim3A_4, %dot_general3A_266 {dimension_numbers = #tpu.dot_dimension_numbers<[1], [0], [0], [1], [0, 0, 1, 1], [], []>, transpose_lhs_hint = false} : vector<128x1024xf32>, vector<1024x8xf32>, vector<128x8xf32> -> vector<128x8xf32>
    %slice3A_268 = vector.extract_strided_slice %dot_general3A_267 {offsets = [0, 0], sizes = [128, 1], strides = [1, 1]} : vector<128x8xf32> to vector<128x1xf32>
    %dot_general3A_269 = arith.constant dense<0.000000e+00> : vector<128x8xf32>
    %dot_general3A_270 = tpu.matmul %convert_element_type3A_258, %broadcast_in_dim3A_4, %dot_general3A_269 {dimension_numbers = #tpu.dot_dimension_numbers<[1], [0], [0], [1], [0, 0, 1, 1], [], []>, transpose_lhs_hint = false} : vector<128x1024xf32>, vector<1024x8xf32>, vector<128x8xf32> -> vector<128x8xf32>
    %slice3A_271 = vector.extract_strided_slice %dot_general3A_270 {offsets = [0, 0], sizes = [128, 1], strides = [1, 1]} : vector<128x8xf32> to vector<128x1xf32>
    %dot_general3A_272 = arith.constant dense<0.000000e+00> : vector<128x8xf32>
    %dot_general3A_273 = tpu.matmul %convert_element_type3A_262, %broadcast_in_dim3A_4, %dot_general3A_272 {dimension_numbers = #tpu.dot_dimension_numbers<[1], [0], [0], [1], [0, 0, 1, 1], [], []>, transpose_lhs_hint = false} : vector<128x1024xf32>, vector<1024x8xf32>, vector<128x8xf32> -> vector<128x8xf32>
    %slice3A_274 = vector.extract_strided_slice %dot_general3A_273 {offsets = [0, 0], sizes = [128, 1], strides = [1, 1]} : vector<128x8xf32> to vector<128x1xf32>
    %ge3A_275 = arith.constant 1.020000e+02 : f32
    %ge3A_276 = vector.broadcast %ge3A_275 : f32 to vector<128x1xf32>
    %ge3A_277 = arith.cmpf oge, %slice3A_265, %ge3A_276 : vector<128x1xf32>
    %select_n3A_278 = arith.select %ge3A_277, %or3A_237, %select_n3A_222 : vector<128x1xi1>, vector<128x1xi32>
    %ge3A_279 = arith.constant 1.020000e+02 : f32
    %ge3A_280 = vector.broadcast %ge3A_279 : f32 to vector<128x1xf32>
    %ge3A_281 = arith.cmpf oge, %slice3A_268, %ge3A_280 : vector<128x1xf32>
    %select_n3A_282 = arith.select %ge3A_281, %or3A_240, %select_n3A_226 : vector<128x1xi1>, vector<128x1xi32>
    %ge3A_283 = arith.constant 1.020000e+02 : f32
    %ge3A_284 = vector.broadcast %ge3A_283 : f32 to vector<128x1xf32>
    %ge3A_285 = arith.cmpf oge, %slice3A_271, %ge3A_284 : vector<128x1xf32>
    %select_n3A_286 = arith.select %ge3A_285, %or3A_243, %select_n3A_230 : vector<128x1xi1>, vector<128x1xi32>
    %ge3A_287 = arith.constant 1.020000e+02 : f32
    %ge3A_288 = vector.broadcast %ge3A_287 : f32 to vector<128x1xf32>
    %ge3A_289 = arith.cmpf oge, %slice3A_274, %ge3A_288 : vector<128x1xf32>
    %select_n3A_290 = arith.select %ge3A_289, %or3A_246, %select_n3A_234 : vector<128x1xi1>, vector<128x1xi32>
    %or3A_291 = arith.constant 33554432 : i32
    %or3A_292 = vector.broadcast %or3A_291 : i32 to vector<128x1xi32>
    %or3A_293 = arith.ori %select_n3A_278, %or3A_292 : vector<128x1xi32>
    %or3A_294 = arith.constant 33554432 : i32
    %or3A_295 = vector.broadcast %or3A_294 : i32 to vector<128x1xi32>
    %or3A_296 = arith.ori %select_n3A_282, %or3A_295 : vector<128x1xi32>
    %or3A_297 = arith.constant 33554432 : i32
    %or3A_298 = vector.broadcast %or3A_297 : i32 to vector<128x1xi32>
    %or3A_299 = arith.ori %select_n3A_286, %or3A_298 : vector<128x1xi32>
    %or3A_300 = arith.constant 33554432 : i32
    %or3A_301 = vector.broadcast %or3A_300 : i32 to vector<128x1xi32>
    %or3A_302 = arith.ori %select_n3A_290, %or3A_301 : vector<128x1xi32>
    %ge3A_303 = vector.broadcast %or3A_293 : vector<128x1xi32> to vector<128x1024xi32>
    %ge3A_304 = arith.cmpi sge, %slice3A, %ge3A_303 : vector<128x1024xi32>
    %convert_element_type3A_305 = arith.extui %ge3A_304 : vector<128x1024xi1> to vector<128x1024xi32>
    %convert_element_type3A_306 = arith.sitofp %convert_element_type3A_305 : vector<128x1024xi32> to vector<128x1024xf32>
    %ge3A_307 = vector.broadcast %or3A_296 : vector<128x1xi32> to vector<128x1024xi32>
    %ge3A_308 = arith.cmpi sge, %slice3A_5, %ge3A_307 : vector<128x1024xi32>
    %convert_element_type3A_309 = arith.extui %ge3A_308 : vector<128x1024xi1> to vector<128x1024xi32>
    %convert_element_type3A_310 = arith.sitofp %convert_element_type3A_309 : vector<128x1024xi32> to vector<128x1024xf32>
    %ge3A_311 = vector.broadcast %or3A_299 : vector<128x1xi32> to vector<128x1024xi32>
    %ge3A_312 = arith.cmpi sge, %slice3A_6, %ge3A_311 : vector<128x1024xi32>
    %convert_element_type3A_313 = arith.extui %ge3A_312 : vector<128x1024xi1> to vector<128x1024xi32>
    %convert_element_type3A_314 = arith.sitofp %convert_element_type3A_313 : vector<128x1024xi32> to vector<128x1024xf32>
    %ge3A_315 = vector.broadcast %or3A_302 : vector<128x1xi32> to vector<128x1024xi32>
    %ge3A_316 = arith.cmpi sge, %slice3A_7, %ge3A_315 : vector<128x1024xi32>
    %convert_element_type3A_317 = arith.extui %ge3A_316 : vector<128x1024xi1> to vector<128x1024xi32>
    %convert_element_type3A_318 = arith.sitofp %convert_element_type3A_317 : vector<128x1024xi32> to vector<128x1024xf32>
    %dot_general3A_319 = arith.constant dense<0.000000e+00> : vector<128x8xf32>
    %dot_general3A_320 = tpu.matmul %convert_element_type3A_306, %broadcast_in_dim3A_4, %dot_general3A_319 {dimension_numbers = #tpu.dot_dimension_numbers<[1], [0], [0], [1], [0, 0, 1, 1], [], []>, transpose_lhs_hint = false} : vector<128x1024xf32>, vector<1024x8xf32>, vector<128x8xf32> -> vector<128x8xf32>
    %slice3A_321 = vector.extract_strided_slice %dot_general3A_320 {offsets = [0, 0], sizes = [128, 1], strides = [1, 1]} : vector<128x8xf32> to vector<128x1xf32>
    %dot_general3A_322 = arith.constant dense<0.000000e+00> : vector<128x8xf32>
    %dot_general3A_323 = tpu.matmul %convert_element_type3A_310, %broadcast_in_dim3A_4, %dot_general3A_322 {dimension_numbers = #tpu.dot_dimension_numbers<[1], [0], [0], [1], [0, 0, 1, 1], [], []>, transpose_lhs_hint = false} : vector<128x1024xf32>, vector<1024x8xf32>, vector<128x8xf32> -> vector<128x8xf32>
    %slice3A_324 = vector.extract_strided_slice %dot_general3A_323 {offsets = [0, 0], sizes = [128, 1], strides = [1, 1]} : vector<128x8xf32> to vector<128x1xf32>
    %dot_general3A_325 = arith.constant dense<0.000000e+00> : vector<128x8xf32>
    %dot_general3A_326 = tpu.matmul %convert_element_type3A_314, %broadcast_in_dim3A_4, %dot_general3A_325 {dimension_numbers = #tpu.dot_dimension_numbers<[1], [0], [0], [1], [0, 0, 1, 1], [], []>, transpose_lhs_hint = false} : vector<128x1024xf32>, vector<1024x8xf32>, vector<128x8xf32> -> vector<128x8xf32>
    %slice3A_327 = vector.extract_strided_slice %dot_general3A_326 {offsets = [0, 0], sizes = [128, 1], strides = [1, 1]} : vector<128x8xf32> to vector<128x1xf32>
    %dot_general3A_328 = arith.constant dense<0.000000e+00> : vector<128x8xf32>
    %dot_general3A_329 = tpu.matmul %convert_element_type3A_318, %broadcast_in_dim3A_4, %dot_general3A_328 {dimension_numbers = #tpu.dot_dimension_numbers<[1], [0], [0], [1], [0, 0, 1, 1], [], []>, transpose_lhs_hint = false} : vector<128x1024xf32>, vector<1024x8xf32>, vector<128x8xf32> -> vector<128x8xf32>
    %slice3A_330 = vector.extract_strided_slice %dot_general3A_329 {offsets = [0, 0], sizes = [128, 1], strides = [1, 1]} : vector<128x8xf32> to vector<128x1xf32>
    %ge3A_331 = arith.constant 1.020000e+02 : f32
    %ge3A_332 = vector.broadcast %ge3A_331 : f32 to vector<128x1xf32>
    %ge3A_333 = arith.cmpf oge, %slice3A_321, %ge3A_332 : vector<128x1xf32>
    %select_n3A_334 = arith.select %ge3A_333, %or3A_293, %select_n3A_278 : vector<128x1xi1>, vector<128x1xi32>
    %ge3A_335 = arith.constant 1.020000e+02 : f32
    %ge3A_336 = vector.broadcast %ge3A_335 : f32 to vector<128x1xf32>
    %ge3A_337 = arith.cmpf oge, %slice3A_324, %ge3A_336 : vector<128x1xf32>
    %select_n3A_338 = arith.select %ge3A_337, %or3A_296, %select_n3A_282 : vector<128x1xi1>, vector<128x1xi32>
    %ge3A_339 = arith.constant 1.020000e+02 : f32
    %ge3A_340 = vector.broadcast %ge3A_339 : f32 to vector<128x1xf32>
    %ge3A_341 = arith.cmpf oge, %slice3A_327, %ge3A_340 : vector<128x1xf32>
    %select_n3A_342 = arith.select %ge3A_341, %or3A_299, %select_n3A_286 : vector<128x1xi1>, vector<128x1xi32>
    %ge3A_343 = arith.constant 1.020000e+02 : f32
    %ge3A_344 = vector.broadcast %ge3A_343 : f32 to vector<128x1xf32>
    %ge3A_345 = arith.cmpf oge, %slice3A_330, %ge3A_344 : vector<128x1xf32>
    %select_n3A_346 = arith.select %ge3A_345, %or3A_302, %select_n3A_290 : vector<128x1xi1>, vector<128x1xi32>
    %or3A_347 = arith.constant 16777216 : i32
    %or3A_348 = vector.broadcast %or3A_347 : i32 to vector<128x1xi32>
    %or3A_349 = arith.ori %select_n3A_334, %or3A_348 : vector<128x1xi32>
    %or3A_350 = arith.constant 16777216 : i32
    %or3A_351 = vector.broadcast %or3A_350 : i32 to vector<128x1xi32>
    %or3A_352 = arith.ori %select_n3A_338, %or3A_351 : vector<128x1xi32>
    %or3A_353 = arith.constant 16777216 : i32
    %or3A_354 = vector.broadcast %or3A_353 : i32 to vector<128x1xi32>
    %or3A_355 = arith.ori %select_n3A_342, %or3A_354 : vector<128x1xi32>
    %or3A_356 = arith.constant 16777216 : i32
    %or3A_357 = vector.broadcast %or3A_356 : i32 to vector<128x1xi32>
    %or3A_358 = arith.ori %select_n3A_346, %or3A_357 : vector<128x1xi32>
    %ge3A_359 = vector.broadcast %or3A_349 : vector<128x1xi32> to vector<128x1024xi32>
    %ge3A_360 = arith.cmpi sge, %slice3A, %ge3A_359 : vector<128x1024xi32>
    %convert_element_type3A_361 = arith.extui %ge3A_360 : vector<128x1024xi1> to vector<128x1024xi32>
    %convert_element_type3A_362 = arith.sitofp %convert_element_type3A_361 : vector<128x1024xi32> to vector<128x1024xf32>
    %ge3A_363 = vector.broadcast %or3A_352 : vector<128x1xi32> to vector<128x1024xi32>
    %ge3A_364 = arith.cmpi sge, %slice3A_5, %ge3A_363 : vector<128x1024xi32>
    %convert_element_type3A_365 = arith.extui %ge3A_364 : vector<128x1024xi1> to vector<128x1024xi32>
    %convert_element_type3A_366 = arith.sitofp %convert_element_type3A_365 : vector<128x1024xi32> to vector<128x1024xf32>
    %ge3A_367 = vector.broadcast %or3A_355 : vector<128x1xi32> to vector<128x1024xi32>
    %ge3A_368 = arith.cmpi sge, %slice3A_6, %ge3A_367 : vector<128x1024xi32>
    %convert_element_type3A_369 = arith.extui %ge3A_368 : vector<128x1024xi1> to vector<128x1024xi32>
    %convert_element_type3A_370 = arith.sitofp %convert_element_type3A_369 : vector<128x1024xi32> to vector<128x1024xf32>
    %ge3A_371 = vector.broadcast %or3A_358 : vector<128x1xi32> to vector<128x1024xi32>
    %ge3A_372 = arith.cmpi sge, %slice3A_7, %ge3A_371 : vector<128x1024xi32>
    %convert_element_type3A_373 = arith.extui %ge3A_372 : vector<128x1024xi1> to vector<128x1024xi32>
    %convert_element_type3A_374 = arith.sitofp %convert_element_type3A_373 : vector<128x1024xi32> to vector<128x1024xf32>
    %dot_general3A_375 = arith.constant dense<0.000000e+00> : vector<128x8xf32>
    %dot_general3A_376 = tpu.matmul %convert_element_type3A_362, %broadcast_in_dim3A_4, %dot_general3A_375 {dimension_numbers = #tpu.dot_dimension_numbers<[1], [0], [0], [1], [0, 0, 1, 1], [], []>, transpose_lhs_hint = false} : vector<128x1024xf32>, vector<1024x8xf32>, vector<128x8xf32> -> vector<128x8xf32>
    %slice3A_377 = vector.extract_strided_slice %dot_general3A_376 {offsets = [0, 0], sizes = [128, 1], strides = [1, 1]} : vector<128x8xf32> to vector<128x1xf32>
    %dot_general3A_378 = arith.constant dense<0.000000e+00> : vector<128x8xf32>
    %dot_general3A_379 = tpu.matmul %convert_element_type3A_366, %broadcast_in_dim3A_4, %dot_general3A_378 {dimension_numbers = #tpu.dot_dimension_numbers<[1], [0], [0], [1], [0, 0, 1, 1], [], []>, transpose_lhs_hint = false} : vector<128x1024xf32>, vector<1024x8xf32>, vector<128x8xf32> -> vector<128x8xf32>
    %slice3A_380 = vector.extract_strided_slice %dot_general3A_379 {offsets = [0, 0], sizes = [128, 1], strides = [1, 1]} : vector<128x8xf32> to vector<128x1xf32>
    %dot_general3A_381 = arith.constant dense<0.000000e+00> : vector<128x8xf32>
    %dot_general3A_382 = tpu.matmul %convert_element_type3A_370, %broadcast_in_dim3A_4, %dot_general3A_381 {dimension_numbers = #tpu.dot_dimension_numbers<[1], [0], [0], [1], [0, 0, 1, 1], [], []>, transpose_lhs_hint = false} : vector<128x1024xf32>, vector<1024x8xf32>, vector<128x8xf32> -> vector<128x8xf32>
    %slice3A_383 = vector.extract_strided_slice %dot_general3A_382 {offsets = [0, 0], sizes = [128, 1], strides = [1, 1]} : vector<128x8xf32> to vector<128x1xf32>
    %dot_general3A_384 = arith.constant dense<0.000000e+00> : vector<128x8xf32>
    %dot_general3A_385 = tpu.matmul %convert_element_type3A_374, %broadcast_in_dim3A_4, %dot_general3A_384 {dimension_numbers = #tpu.dot_dimension_numbers<[1], [0], [0], [1], [0, 0, 1, 1], [], []>, transpose_lhs_hint = false} : vector<128x1024xf32>, vector<1024x8xf32>, vector<128x8xf32> -> vector<128x8xf32>
    %slice3A_386 = vector.extract_strided_slice %dot_general3A_385 {offsets = [0, 0], sizes = [128, 1], strides = [1, 1]} : vector<128x8xf32> to vector<128x1xf32>
    %ge3A_387 = arith.constant 1.020000e+02 : f32
    %ge3A_388 = vector.broadcast %ge3A_387 : f32 to vector<128x1xf32>
    %ge3A_389 = arith.cmpf oge, %slice3A_377, %ge3A_388 : vector<128x1xf32>
    %select_n3A_390 = arith.select %ge3A_389, %or3A_349, %select_n3A_334 : vector<128x1xi1>, vector<128x1xi32>
    %ge3A_391 = arith.constant 1.020000e+02 : f32
    %ge3A_392 = vector.broadcast %ge3A_391 : f32 to vector<128x1xf32>
    %ge3A_393 = arith.cmpf oge, %slice3A_380, %ge3A_392 : vector<128x1xf32>
    %select_n3A_394 = arith.select %ge3A_393, %or3A_352, %select_n3A_338 : vector<128x1xi1>, vector<128x1xi32>
    %ge3A_395 = arith.constant 1.020000e+02 : f32
    %ge3A_396 = vector.broadcast %ge3A_395 : f32 to vector<128x1xf32>
    %ge3A_397 = arith.cmpf oge, %slice3A_383, %ge3A_396 : vector<128x1xf32>
    %select_n3A_398 = arith.select %ge3A_397, %or3A_355, %select_n3A_342 : vector<128x1xi1>, vector<128x1xi32>
    %ge3A_399 = arith.constant 1.020000e+02 : f32
    %ge3A_400 = vector.broadcast %ge3A_399 : f32 to vector<128x1xf32>
    %ge3A_401 = arith.cmpf oge, %slice3A_386, %ge3A_400 : vector<128x1xf32>
    %select_n3A_402 = arith.select %ge3A_401, %or3A_358, %select_n3A_346 : vector<128x1xi1>, vector<128x1xi32>
    %or3A_403 = arith.constant 8388608 : i32
    %or3A_404 = vector.broadcast %or3A_403 : i32 to vector<128x1xi32>
    %or3A_405 = arith.ori %select_n3A_390, %or3A_404 : vector<128x1xi32>
    %or3A_406 = arith.constant 8388608 : i32
    %or3A_407 = vector.broadcast %or3A_406 : i32 to vector<128x1xi32>
    %or3A_408 = arith.ori %select_n3A_394, %or3A_407 : vector<128x1xi32>
    %or3A_409 = arith.constant 8388608 : i32
    %or3A_410 = vector.broadcast %or3A_409 : i32 to vector<128x1xi32>
    %or3A_411 = arith.ori %select_n3A_398, %or3A_410 : vector<128x1xi32>
    %or3A_412 = arith.constant 8388608 : i32
    %or3A_413 = vector.broadcast %or3A_412 : i32 to vector<128x1xi32>
    %or3A_414 = arith.ori %select_n3A_402, %or3A_413 : vector<128x1xi32>
    %ge3A_415 = vector.broadcast %or3A_405 : vector<128x1xi32> to vector<128x1024xi32>
    %ge3A_416 = arith.cmpi sge, %slice3A, %ge3A_415 : vector<128x1024xi32>
    %convert_element_type3A_417 = arith.extui %ge3A_416 : vector<128x1024xi1> to vector<128x1024xi32>
    %convert_element_type3A_418 = arith.sitofp %convert_element_type3A_417 : vector<128x1024xi32> to vector<128x1024xf32>
    %ge3A_419 = vector.broadcast %or3A_408 : vector<128x1xi32> to vector<128x1024xi32>
    %ge3A_420 = arith.cmpi sge, %slice3A_5, %ge3A_419 : vector<128x1024xi32>
    %convert_element_type3A_421 = arith.extui %ge3A_420 : vector<128x1024xi1> to vector<128x1024xi32>
    %convert_element_type3A_422 = arith.sitofp %convert_element_type3A_421 : vector<128x1024xi32> to vector<128x1024xf32>
    %ge3A_423 = vector.broadcast %or3A_411 : vector<128x1xi32> to vector<128x1024xi32>
    %ge3A_424 = arith.cmpi sge, %slice3A_6, %ge3A_423 : vector<128x1024xi32>
    %convert_element_type3A_425 = arith.extui %ge3A_424 : vector<128x1024xi1> to vector<128x1024xi32>
    %convert_element_type3A_426 = arith.sitofp %convert_element_type3A_425 : vector<128x1024xi32> to vector<128x1024xf32>
    %ge3A_427 = vector.broadcast %or3A_414 : vector<128x1xi32> to vector<128x1024xi32>
    %ge3A_428 = arith.cmpi sge, %slice3A_7, %ge3A_427 : vector<128x1024xi32>
    %convert_element_type3A_429 = arith.extui %ge3A_428 : vector<128x1024xi1> to vector<128x1024xi32>
    %convert_element_type3A_430 = arith.sitofp %convert_element_type3A_429 : vector<128x1024xi32> to vector<128x1024xf32>
    %dot_general3A_431 = arith.constant dense<0.000000e+00> : vector<128x8xf32>
    %dot_general3A_432 = tpu.matmul %convert_element_type3A_418, %broadcast_in_dim3A_4, %dot_general3A_431 {dimension_numbers = #tpu.dot_dimension_numbers<[1], [0], [0], [1], [0, 0, 1, 1], [], []>, transpose_lhs_hint = false} : vector<128x1024xf32>, vector<1024x8xf32>, vector<128x8xf32> -> vector<128x8xf32>
    %slice3A_433 = vector.extract_strided_slice %dot_general3A_432 {offsets = [0, 0], sizes = [128, 1], strides = [1, 1]} : vector<128x8xf32> to vector<128x1xf32>
    %dot_general3A_434 = arith.constant dense<0.000000e+00> : vector<128x8xf32>
    %dot_general3A_435 = tpu.matmul %convert_element_type3A_422, %broadcast_in_dim3A_4, %dot_general3A_434 {dimension_numbers = #tpu.dot_dimension_numbers<[1], [0], [0], [1], [0, 0, 1, 1], [], []>, transpose_lhs_hint = false} : vector<128x1024xf32>, vector<1024x8xf32>, vector<128x8xf32> -> vector<128x8xf32>
    %slice3A_436 = vector.extract_strided_slice %dot_general3A_435 {offsets = [0, 0], sizes = [128, 1], strides = [1, 1]} : vector<128x8xf32> to vector<128x1xf32>
    %dot_general3A_437 = arith.constant dense<0.000000e+00> : vector<128x8xf32>
    %dot_general3A_438 = tpu.matmul %convert_element_type3A_426, %broadcast_in_dim3A_4, %dot_general3A_437 {dimension_numbers = #tpu.dot_dimension_numbers<[1], [0], [0], [1], [0, 0, 1, 1], [], []>, transpose_lhs_hint = false} : vector<128x1024xf32>, vector<1024x8xf32>, vector<128x8xf32> -> vector<128x8xf32>
    %slice3A_439 = vector.extract_strided_slice %dot_general3A_438 {offsets = [0, 0], sizes = [128, 1], strides = [1, 1]} : vector<128x8xf32> to vector<128x1xf32>
    %dot_general3A_440 = arith.constant dense<0.000000e+00> : vector<128x8xf32>
    %dot_general3A_441 = tpu.matmul %convert_element_type3A_430, %broadcast_in_dim3A_4, %dot_general3A_440 {dimension_numbers = #tpu.dot_dimension_numbers<[1], [0], [0], [1], [0, 0, 1, 1], [], []>, transpose_lhs_hint = false} : vector<128x1024xf32>, vector<1024x8xf32>, vector<128x8xf32> -> vector<128x8xf32>
    %slice3A_442 = vector.extract_strided_slice %dot_general3A_441 {offsets = [0, 0], sizes = [128, 1], strides = [1, 1]} : vector<128x8xf32> to vector<128x1xf32>
    %ge3A_443 = arith.constant 1.020000e+02 : f32
    %ge3A_444 = vector.broadcast %ge3A_443 : f32 to vector<128x1xf32>
    %ge3A_445 = arith.cmpf oge, %slice3A_433, %ge3A_444 : vector<128x1xf32>
    %select_n3A_446 = arith.select %ge3A_445, %or3A_405, %select_n3A_390 : vector<128x1xi1>, vector<128x1xi32>
    %ge3A_447 = arith.constant 1.020000e+02 : f32
    %ge3A_448 = vector.broadcast %ge3A_447 : f32 to vector<128x1xf32>
    %ge3A_449 = arith.cmpf oge, %slice3A_436, %ge3A_448 : vector<128x1xf32>
    %select_n3A_450 = arith.select %ge3A_449, %or3A_408, %select_n3A_394 : vector<128x1xi1>, vector<128x1xi32>
    %ge3A_451 = arith.constant 1.020000e+02 : f32
    %ge3A_452 = vector.broadcast %ge3A_451 : f32 to vector<128x1xf32>
    %ge3A_453 = arith.cmpf oge, %slice3A_439, %ge3A_452 : vector<128x1xf32>
    %select_n3A_454 = arith.select %ge3A_453, %or3A_411, %select_n3A_398 : vector<128x1xi1>, vector<128x1xi32>
    %ge3A_455 = arith.constant 1.020000e+02 : f32
    %ge3A_456 = vector.broadcast %ge3A_455 : f32 to vector<128x1xf32>
    %ge3A_457 = arith.cmpf oge, %slice3A_442, %ge3A_456 : vector<128x1xf32>
    %select_n3A_458 = arith.select %ge3A_457, %or3A_414, %select_n3A_402 : vector<128x1xi1>, vector<128x1xi32>
    %or3A_459 = arith.constant 4194304 : i32
    %or3A_460 = vector.broadcast %or3A_459 : i32 to vector<128x1xi32>
    %or3A_461 = arith.ori %select_n3A_446, %or3A_460 : vector<128x1xi32>
    %or3A_462 = arith.constant 4194304 : i32
    %or3A_463 = vector.broadcast %or3A_462 : i32 to vector<128x1xi32>
    %or3A_464 = arith.ori %select_n3A_450, %or3A_463 : vector<128x1xi32>
    %or3A_465 = arith.constant 4194304 : i32
    %or3A_466 = vector.broadcast %or3A_465 : i32 to vector<128x1xi32>
    %or3A_467 = arith.ori %select_n3A_454, %or3A_466 : vector<128x1xi32>
    %or3A_468 = arith.constant 4194304 : i32
    %or3A_469 = vector.broadcast %or3A_468 : i32 to vector<128x1xi32>
    %or3A_470 = arith.ori %select_n3A_458, %or3A_469 : vector<128x1xi32>
    %ge3A_471 = vector.broadcast %or3A_461 : vector<128x1xi32> to vector<128x1024xi32>
    %ge3A_472 = arith.cmpi sge, %slice3A, %ge3A_471 : vector<128x1024xi32>
    %convert_element_type3A_473 = arith.extui %ge3A_472 : vector<128x1024xi1> to vector<128x1024xi32>
    %convert_element_type3A_474 = arith.sitofp %convert_element_type3A_473 : vector<128x1024xi32> to vector<128x1024xf32>
    %ge3A_475 = vector.broadcast %or3A_464 : vector<128x1xi32> to vector<128x1024xi32>
    %ge3A_476 = arith.cmpi sge, %slice3A_5, %ge3A_475 : vector<128x1024xi32>
    %convert_element_type3A_477 = arith.extui %ge3A_476 : vector<128x1024xi1> to vector<128x1024xi32>
    %convert_element_type3A_478 = arith.sitofp %convert_element_type3A_477 : vector<128x1024xi32> to vector<128x1024xf32>
    %ge3A_479 = vector.broadcast %or3A_467 : vector<128x1xi32> to vector<128x1024xi32>
    %ge3A_480 = arith.cmpi sge, %slice3A_6, %ge3A_479 : vector<128x1024xi32>
    %convert_element_type3A_481 = arith.extui %ge3A_480 : vector<128x1024xi1> to vector<128x1024xi32>
    %convert_element_type3A_482 = arith.sitofp %convert_element_type3A_481 : vector<128x1024xi32> to vector<128x1024xf32>
    %ge3A_483 = vector.broadcast %or3A_470 : vector<128x1xi32> to vector<128x1024xi32>
    %ge3A_484 = arith.cmpi sge, %slice3A_7, %ge3A_483 : vector<128x1024xi32>
    %convert_element_type3A_485 = arith.extui %ge3A_484 : vector<128x1024xi1> to vector<128x1024xi32>
    %convert_element_type3A_486 = arith.sitofp %convert_element_type3A_485 : vector<128x1024xi32> to vector<128x1024xf32>
    %dot_general3A_487 = arith.constant dense<0.000000e+00> : vector<128x8xf32>
    %dot_general3A_488 = tpu.matmul %convert_element_type3A_474, %broadcast_in_dim3A_4, %dot_general3A_487 {dimension_numbers = #tpu.dot_dimension_numbers<[1], [0], [0], [1], [0, 0, 1, 1], [], []>, transpose_lhs_hint = false} : vector<128x1024xf32>, vector<1024x8xf32>, vector<128x8xf32> -> vector<128x8xf32>
    %slice3A_489 = vector.extract_strided_slice %dot_general3A_488 {offsets = [0, 0], sizes = [128, 1], strides = [1, 1]} : vector<128x8xf32> to vector<128x1xf32>
    %dot_general3A_490 = arith.constant dense<0.000000e+00> : vector<128x8xf32>
    %dot_general3A_491 = tpu.matmul %convert_element_type3A_478, %broadcast_in_dim3A_4, %dot_general3A_490 {dimension_numbers = #tpu.dot_dimension_numbers<[1], [0], [0], [1], [0, 0, 1, 1], [], []>, transpose_lhs_hint = false} : vector<128x1024xf32>, vector<1024x8xf32>, vector<128x8xf32> -> vector<128x8xf32>
    %slice3A_492 = vector.extract_strided_slice %dot_general3A_491 {offsets = [0, 0], sizes = [128, 1], strides = [1, 1]} : vector<128x8xf32> to vector<128x1xf32>
    %dot_general3A_493 = arith.constant dense<0.000000e+00> : vector<128x8xf32>
    %dot_general3A_494 = tpu.matmul %convert_element_type3A_482, %broadcast_in_dim3A_4, %dot_general3A_493 {dimension_numbers = #tpu.dot_dimension_numbers<[1], [0], [0], [1], [0, 0, 1, 1], [], []>, transpose_lhs_hint = false} : vector<128x1024xf32>, vector<1024x8xf32>, vector<128x8xf32> -> vector<128x8xf32>
    %slice3A_495 = vector.extract_strided_slice %dot_general3A_494 {offsets = [0, 0], sizes = [128, 1], strides = [1, 1]} : vector<128x8xf32> to vector<128x1xf32>
    %dot_general3A_496 = arith.constant dense<0.000000e+00> : vector<128x8xf32>
    %dot_general3A_497 = tpu.matmul %convert_element_type3A_486, %broadcast_in_dim3A_4, %dot_general3A_496 {dimension_numbers = #tpu.dot_dimension_numbers<[1], [0], [0], [1], [0, 0, 1, 1], [], []>, transpose_lhs_hint = false} : vector<128x1024xf32>, vector<1024x8xf32>, vector<128x8xf32> -> vector<128x8xf32>
    %slice3A_498 = vector.extract_strided_slice %dot_general3A_497 {offsets = [0, 0], sizes = [128, 1], strides = [1, 1]} : vector<128x8xf32> to vector<128x1xf32>
    %ge3A_499 = arith.constant 1.020000e+02 : f32
    %ge3A_500 = vector.broadcast %ge3A_499 : f32 to vector<128x1xf32>
    %ge3A_501 = arith.cmpf oge, %slice3A_489, %ge3A_500 : vector<128x1xf32>
    %select_n3A_502 = arith.select %ge3A_501, %or3A_461, %select_n3A_446 : vector<128x1xi1>, vector<128x1xi32>
    %ge3A_503 = arith.constant 1.020000e+02 : f32
    %ge3A_504 = vector.broadcast %ge3A_503 : f32 to vector<128x1xf32>
    %ge3A_505 = arith.cmpf oge, %slice3A_492, %ge3A_504 : vector<128x1xf32>
    %select_n3A_506 = arith.select %ge3A_505, %or3A_464, %select_n3A_450 : vector<128x1xi1>, vector<128x1xi32>
    %ge3A_507 = arith.constant 1.020000e+02 : f32
    %ge3A_508 = vector.broadcast %ge3A_507 : f32 to vector<128x1xf32>
    %ge3A_509 = arith.cmpf oge, %slice3A_495, %ge3A_508 : vector<128x1xf32>
    %select_n3A_510 = arith.select %ge3A_509, %or3A_467, %select_n3A_454 : vector<128x1xi1>, vector<128x1xi32>
    %ge3A_511 = arith.constant 1.020000e+02 : f32
    %ge3A_512 = vector.broadcast %ge3A_511 : f32 to vector<128x1xf32>
    %ge3A_513 = arith.cmpf oge, %slice3A_498, %ge3A_512 : vector<128x1xf32>
    %select_n3A_514 = arith.select %ge3A_513, %or3A_470, %select_n3A_458 : vector<128x1xi1>, vector<128x1xi32>
    %or3A_515 = arith.constant 2097152 : i32
    %or3A_516 = vector.broadcast %or3A_515 : i32 to vector<128x1xi32>
    %or3A_517 = arith.ori %select_n3A_502, %or3A_516 : vector<128x1xi32>
    %or3A_518 = arith.constant 2097152 : i32
    %or3A_519 = vector.broadcast %or3A_518 : i32 to vector<128x1xi32>
    %or3A_520 = arith.ori %select_n3A_506, %or3A_519 : vector<128x1xi32>
    %or3A_521 = arith.constant 2097152 : i32
    %or3A_522 = vector.broadcast %or3A_521 : i32 to vector<128x1xi32>
    %or3A_523 = arith.ori %select_n3A_510, %or3A_522 : vector<128x1xi32>
    %or3A_524 = arith.constant 2097152 : i32
    %or3A_525 = vector.broadcast %or3A_524 : i32 to vector<128x1xi32>
    %or3A_526 = arith.ori %select_n3A_514, %or3A_525 : vector<128x1xi32>
    %ge3A_527 = vector.broadcast %or3A_517 : vector<128x1xi32> to vector<128x1024xi32>
    %ge3A_528 = arith.cmpi sge, %slice3A, %ge3A_527 : vector<128x1024xi32>
    %convert_element_type3A_529 = arith.extui %ge3A_528 : vector<128x1024xi1> to vector<128x1024xi32>
    %convert_element_type3A_530 = arith.sitofp %convert_element_type3A_529 : vector<128x1024xi32> to vector<128x1024xf32>
    %ge3A_531 = vector.broadcast %or3A_520 : vector<128x1xi32> to vector<128x1024xi32>
    %ge3A_532 = arith.cmpi sge, %slice3A_5, %ge3A_531 : vector<128x1024xi32>
    %convert_element_type3A_533 = arith.extui %ge3A_532 : vector<128x1024xi1> to vector<128x1024xi32>
    %convert_element_type3A_534 = arith.sitofp %convert_element_type3A_533 : vector<128x1024xi32> to vector<128x1024xf32>
    %ge3A_535 = vector.broadcast %or3A_523 : vector<128x1xi32> to vector<128x1024xi32>
    %ge3A_536 = arith.cmpi sge, %slice3A_6, %ge3A_535 : vector<128x1024xi32>
    %convert_element_type3A_537 = arith.extui %ge3A_536 : vector<128x1024xi1> to vector<128x1024xi32>
    %convert_element_type3A_538 = arith.sitofp %convert_element_type3A_537 : vector<128x1024xi32> to vector<128x1024xf32>
    %ge3A_539 = vector.broadcast %or3A_526 : vector<128x1xi32> to vector<128x1024xi32>
    %ge3A_540 = arith.cmpi sge, %slice3A_7, %ge3A_539 : vector<128x1024xi32>
    %convert_element_type3A_541 = arith.extui %ge3A_540 : vector<128x1024xi1> to vector<128x1024xi32>
    %convert_element_type3A_542 = arith.sitofp %convert_element_type3A_541 : vector<128x1024xi32> to vector<128x1024xf32>
    %dot_general3A_543 = arith.constant dense<0.000000e+00> : vector<128x8xf32>
    %dot_general3A_544 = tpu.matmul %convert_element_type3A_530, %broadcast_in_dim3A_4, %dot_general3A_543 {dimension_numbers = #tpu.dot_dimension_numbers<[1], [0], [0], [1], [0, 0, 1, 1], [], []>, transpose_lhs_hint = false} : vector<128x1024xf32>, vector<1024x8xf32>, vector<128x8xf32> -> vector<128x8xf32>
    %slice3A_545 = vector.extract_strided_slice %dot_general3A_544 {offsets = [0, 0], sizes = [128, 1], strides = [1, 1]} : vector<128x8xf32> to vector<128x1xf32>
    %dot_general3A_546 = arith.constant dense<0.000000e+00> : vector<128x8xf32>
    %dot_general3A_547 = tpu.matmul %convert_element_type3A_534, %broadcast_in_dim3A_4, %dot_general3A_546 {dimension_numbers = #tpu.dot_dimension_numbers<[1], [0], [0], [1], [0, 0, 1, 1], [], []>, transpose_lhs_hint = false} : vector<128x1024xf32>, vector<1024x8xf32>, vector<128x8xf32> -> vector<128x8xf32>
    %slice3A_548 = vector.extract_strided_slice %dot_general3A_547 {offsets = [0, 0], sizes = [128, 1], strides = [1, 1]} : vector<128x8xf32> to vector<128x1xf32>
    %dot_general3A_549 = arith.constant dense<0.000000e+00> : vector<128x8xf32>
    %dot_general3A_550 = tpu.matmul %convert_element_type3A_538, %broadcast_in_dim3A_4, %dot_general3A_549 {dimension_numbers = #tpu.dot_dimension_numbers<[1], [0], [0], [1], [0, 0, 1, 1], [], []>, transpose_lhs_hint = false} : vector<128x1024xf32>, vector<1024x8xf32>, vector<128x8xf32> -> vector<128x8xf32>
    %slice3A_551 = vector.extract_strided_slice %dot_general3A_550 {offsets = [0, 0], sizes = [128, 1], strides = [1, 1]} : vector<128x8xf32> to vector<128x1xf32>
    %dot_general3A_552 = arith.constant dense<0.000000e+00> : vector<128x8xf32>
    %dot_general3A_553 = tpu.matmul %convert_element_type3A_542, %broadcast_in_dim3A_4, %dot_general3A_552 {dimension_numbers = #tpu.dot_dimension_numbers<[1], [0], [0], [1], [0, 0, 1, 1], [], []>, transpose_lhs_hint = false} : vector<128x1024xf32>, vector<1024x8xf32>, vector<128x8xf32> -> vector<128x8xf32>
    %slice3A_554 = vector.extract_strided_slice %dot_general3A_553 {offsets = [0, 0], sizes = [128, 1], strides = [1, 1]} : vector<128x8xf32> to vector<128x1xf32>
    %ge3A_555 = arith.constant 1.020000e+02 : f32
    %ge3A_556 = vector.broadcast %ge3A_555 : f32 to vector<128x1xf32>
    %ge3A_557 = arith.cmpf oge, %slice3A_545, %ge3A_556 : vector<128x1xf32>
    %select_n3A_558 = arith.select %ge3A_557, %or3A_517, %select_n3A_502 : vector<128x1xi1>, vector<128x1xi32>
    %ge3A_559 = arith.constant 1.020000e+02 : f32
    %ge3A_560 = vector.broadcast %ge3A_559 : f32 to vector<128x1xf32>
    %ge3A_561 = arith.cmpf oge, %slice3A_548, %ge3A_560 : vector<128x1xf32>
    %select_n3A_562 = arith.select %ge3A_561, %or3A_520, %select_n3A_506 : vector<128x1xi1>, vector<128x1xi32>
    %ge3A_563 = arith.constant 1.020000e+02 : f32
    %ge3A_564 = vector.broadcast %ge3A_563 : f32 to vector<128x1xf32>
    %ge3A_565 = arith.cmpf oge, %slice3A_551, %ge3A_564 : vector<128x1xf32>
    %select_n3A_566 = arith.select %ge3A_565, %or3A_523, %select_n3A_510 : vector<128x1xi1>, vector<128x1xi32>
    %ge3A_567 = arith.constant 1.020000e+02 : f32
    %ge3A_568 = vector.broadcast %ge3A_567 : f32 to vector<128x1xf32>
    %ge3A_569 = arith.cmpf oge, %slice3A_554, %ge3A_568 : vector<128x1xf32>
    %select_n3A_570 = arith.select %ge3A_569, %or3A_526, %select_n3A_514 : vector<128x1xi1>, vector<128x1xi32>
    %or3A_571 = arith.constant 1048576 : i32
    %or3A_572 = vector.broadcast %or3A_571 : i32 to vector<128x1xi32>
    %or3A_573 = arith.ori %select_n3A_558, %or3A_572 : vector<128x1xi32>
    %or3A_574 = arith.constant 1048576 : i32
    %or3A_575 = vector.broadcast %or3A_574 : i32 to vector<128x1xi32>
    %or3A_576 = arith.ori %select_n3A_562, %or3A_575 : vector<128x1xi32>
    %or3A_577 = arith.constant 1048576 : i32
    %or3A_578 = vector.broadcast %or3A_577 : i32 to vector<128x1xi32>
    %or3A_579 = arith.ori %select_n3A_566, %or3A_578 : vector<128x1xi32>
    %or3A_580 = arith.constant 1048576 : i32
    %or3A_581 = vector.broadcast %or3A_580 : i32 to vector<128x1xi32>
    %or3A_582 = arith.ori %select_n3A_570, %or3A_581 : vector<128x1xi32>
    %ge3A_583 = vector.broadcast %or3A_573 : vector<128x1xi32> to vector<128x1024xi32>
    %ge3A_584 = arith.cmpi sge, %slice3A, %ge3A_583 : vector<128x1024xi32>
    %convert_element_type3A_585 = arith.extui %ge3A_584 : vector<128x1024xi1> to vector<128x1024xi32>
    %convert_element_type3A_586 = arith.sitofp %convert_element_type3A_585 : vector<128x1024xi32> to vector<128x1024xf32>
    %ge3A_587 = vector.broadcast %or3A_576 : vector<128x1xi32> to vector<128x1024xi32>
    %ge3A_588 = arith.cmpi sge, %slice3A_5, %ge3A_587 : vector<128x1024xi32>
    %convert_element_type3A_589 = arith.extui %ge3A_588 : vector<128x1024xi1> to vector<128x1024xi32>
    %convert_element_type3A_590 = arith.sitofp %convert_element_type3A_589 : vector<128x1024xi32> to vector<128x1024xf32>
    %ge3A_591 = vector.broadcast %or3A_579 : vector<128x1xi32> to vector<128x1024xi32>
    %ge3A_592 = arith.cmpi sge, %slice3A_6, %ge3A_591 : vector<128x1024xi32>
    %convert_element_type3A_593 = arith.extui %ge3A_592 : vector<128x1024xi1> to vector<128x1024xi32>
    %convert_element_type3A_594 = arith.sitofp %convert_element_type3A_593 : vector<128x1024xi32> to vector<128x1024xf32>
    %ge3A_595 = vector.broadcast %or3A_582 : vector<128x1xi32> to vector<128x1024xi32>
    %ge3A_596 = arith.cmpi sge, %slice3A_7, %ge3A_595 : vector<128x1024xi32>
    %convert_element_type3A_597 = arith.extui %ge3A_596 : vector<128x1024xi1> to vector<128x1024xi32>
    %convert_element_type3A_598 = arith.sitofp %convert_element_type3A_597 : vector<128x1024xi32> to vector<128x1024xf32>
    %dot_general3A_599 = arith.constant dense<0.000000e+00> : vector<128x8xf32>
    %dot_general3A_600 = tpu.matmul %convert_element_type3A_586, %broadcast_in_dim3A_4, %dot_general3A_599 {dimension_numbers = #tpu.dot_dimension_numbers<[1], [0], [0], [1], [0, 0, 1, 1], [], []>, transpose_lhs_hint = false} : vector<128x1024xf32>, vector<1024x8xf32>, vector<128x8xf32> -> vector<128x8xf32>
    %slice3A_601 = vector.extract_strided_slice %dot_general3A_600 {offsets = [0, 0], sizes = [128, 1], strides = [1, 1]} : vector<128x8xf32> to vector<128x1xf32>
    %dot_general3A_602 = arith.constant dense<0.000000e+00> : vector<128x8xf32>
    %dot_general3A_603 = tpu.matmul %convert_element_type3A_590, %broadcast_in_dim3A_4, %dot_general3A_602 {dimension_numbers = #tpu.dot_dimension_numbers<[1], [0], [0], [1], [0, 0, 1, 1], [], []>, transpose_lhs_hint = false} : vector<128x1024xf32>, vector<1024x8xf32>, vector<128x8xf32> -> vector<128x8xf32>
    %slice3A_604 = vector.extract_strided_slice %dot_general3A_603 {offsets = [0, 0], sizes = [128, 1], strides = [1, 1]} : vector<128x8xf32> to vector<128x1xf32>
    %dot_general3A_605 = arith.constant dense<0.000000e+00> : vector<128x8xf32>
    %dot_general3A_606 = tpu.matmul %convert_element_type3A_594, %broadcast_in_dim3A_4, %dot_general3A_605 {dimension_numbers = #tpu.dot_dimension_numbers<[1], [0], [0], [1], [0, 0, 1, 1], [], []>, transpose_lhs_hint = false} : vector<128x1024xf32>, vector<1024x8xf32>, vector<128x8xf32> -> vector<128x8xf32>
    %slice3A_607 = vector.extract_strided_slice %dot_general3A_606 {offsets = [0, 0], sizes = [128, 1], strides = [1, 1]} : vector<128x8xf32> to vector<128x1xf32>
    %dot_general3A_608 = arith.constant dense<0.000000e+00> : vector<128x8xf32>
    %dot_general3A_609 = tpu.matmul %convert_element_type3A_598, %broadcast_in_dim3A_4, %dot_general3A_608 {dimension_numbers = #tpu.dot_dimension_numbers<[1], [0], [0], [1], [0, 0, 1, 1], [], []>, transpose_lhs_hint = false} : vector<128x1024xf32>, vector<1024x8xf32>, vector<128x8xf32> -> vector<128x8xf32>
    %slice3A_610 = vector.extract_strided_slice %dot_general3A_609 {offsets = [0, 0], sizes = [128, 1], strides = [1, 1]} : vector<128x8xf32> to vector<128x1xf32>
    %ge3A_611 = arith.constant 1.020000e+02 : f32
    %ge3A_612 = vector.broadcast %ge3A_611 : f32 to vector<128x1xf32>
    %ge3A_613 = arith.cmpf oge, %slice3A_601, %ge3A_612 : vector<128x1xf32>
    %select_n3A_614 = arith.select %ge3A_613, %or3A_573, %select_n3A_558 : vector<128x1xi1>, vector<128x1xi32>
    %ge3A_615 = arith.constant 1.020000e+02 : f32
    %ge3A_616 = vector.broadcast %ge3A_615 : f32 to vector<128x1xf32>
    %ge3A_617 = arith.cmpf oge, %slice3A_604, %ge3A_616 : vector<128x1xf32>
    %select_n3A_618 = arith.select %ge3A_617, %or3A_576, %select_n3A_562 : vector<128x1xi1>, vector<128x1xi32>
    %ge3A_619 = arith.constant 1.020000e+02 : f32
    %ge3A_620 = vector.broadcast %ge3A_619 : f32 to vector<128x1xf32>
    %ge3A_621 = arith.cmpf oge, %slice3A_607, %ge3A_620 : vector<128x1xf32>
    %select_n3A_622 = arith.select %ge3A_621, %or3A_579, %select_n3A_566 : vector<128x1xi1>, vector<128x1xi32>
    %ge3A_623 = arith.constant 1.020000e+02 : f32
    %ge3A_624 = vector.broadcast %ge3A_623 : f32 to vector<128x1xf32>
    %ge3A_625 = arith.cmpf oge, %slice3A_610, %ge3A_624 : vector<128x1xf32>
    %select_n3A_626 = arith.select %ge3A_625, %or3A_582, %select_n3A_570 : vector<128x1xi1>, vector<128x1xi32>
    %or3A_627 = arith.constant 524288 : i32
    %or3A_628 = vector.broadcast %or3A_627 : i32 to vector<128x1xi32>
    %or3A_629 = arith.ori %select_n3A_614, %or3A_628 : vector<128x1xi32>
    %or3A_630 = arith.constant 524288 : i32
    %or3A_631 = vector.broadcast %or3A_630 : i32 to vector<128x1xi32>
    %or3A_632 = arith.ori %select_n3A_618, %or3A_631 : vector<128x1xi32>
    %or3A_633 = arith.constant 524288 : i32
    %or3A_634 = vector.broadcast %or3A_633 : i32 to vector<128x1xi32>
    %or3A_635 = arith.ori %select_n3A_622, %or3A_634 : vector<128x1xi32>
    %or3A_636 = arith.constant 524288 : i32
    %or3A_637 = vector.broadcast %or3A_636 : i32 to vector<128x1xi32>
    %or3A_638 = arith.ori %select_n3A_626, %or3A_637 : vector<128x1xi32>
    %ge3A_639 = vector.broadcast %or3A_629 : vector<128x1xi32> to vector<128x1024xi32>
    %ge3A_640 = arith.cmpi sge, %slice3A, %ge3A_639 : vector<128x1024xi32>
    %convert_element_type3A_641 = arith.extui %ge3A_640 : vector<128x1024xi1> to vector<128x1024xi32>
    %convert_element_type3A_642 = arith.sitofp %convert_element_type3A_641 : vector<128x1024xi32> to vector<128x1024xf32>
    %ge3A_643 = vector.broadcast %or3A_632 : vector<128x1xi32> to vector<128x1024xi32>
    %ge3A_644 = arith.cmpi sge, %slice3A_5, %ge3A_643 : vector<128x1024xi32>
    %convert_element_type3A_645 = arith.extui %ge3A_644 : vector<128x1024xi1> to vector<128x1024xi32>
    %convert_element_type3A_646 = arith.sitofp %convert_element_type3A_645 : vector<128x1024xi32> to vector<128x1024xf32>
    %ge3A_647 = vector.broadcast %or3A_635 : vector<128x1xi32> to vector<128x1024xi32>
    %ge3A_648 = arith.cmpi sge, %slice3A_6, %ge3A_647 : vector<128x1024xi32>
    %convert_element_type3A_649 = arith.extui %ge3A_648 : vector<128x1024xi1> to vector<128x1024xi32>
    %convert_element_type3A_650 = arith.sitofp %convert_element_type3A_649 : vector<128x1024xi32> to vector<128x1024xf32>
    %ge3A_651 = vector.broadcast %or3A_638 : vector<128x1xi32> to vector<128x1024xi32>
    %ge3A_652 = arith.cmpi sge, %slice3A_7, %ge3A_651 : vector<128x1024xi32>
    %convert_element_type3A_653 = arith.extui %ge3A_652 : vector<128x1024xi1> to vector<128x1024xi32>
    %convert_element_type3A_654 = arith.sitofp %convert_element_type3A_653 : vector<128x1024xi32> to vector<128x1024xf32>
    %dot_general3A_655 = arith.constant dense<0.000000e+00> : vector<128x8xf32>
    %dot_general3A_656 = tpu.matmul %convert_element_type3A_642, %broadcast_in_dim3A_4, %dot_general3A_655 {dimension_numbers = #tpu.dot_dimension_numbers<[1], [0], [0], [1], [0, 0, 1, 1], [], []>, transpose_lhs_hint = false} : vector<128x1024xf32>, vector<1024x8xf32>, vector<128x8xf32> -> vector<128x8xf32>
    %slice3A_657 = vector.extract_strided_slice %dot_general3A_656 {offsets = [0, 0], sizes = [128, 1], strides = [1, 1]} : vector<128x8xf32> to vector<128x1xf32>
    %dot_general3A_658 = arith.constant dense<0.000000e+00> : vector<128x8xf32>
    %dot_general3A_659 = tpu.matmul %convert_element_type3A_646, %broadcast_in_dim3A_4, %dot_general3A_658 {dimension_numbers = #tpu.dot_dimension_numbers<[1], [0], [0], [1], [0, 0, 1, 1], [], []>, transpose_lhs_hint = false} : vector<128x1024xf32>, vector<1024x8xf32>, vector<128x8xf32> -> vector<128x8xf32>
    %slice3A_660 = vector.extract_strided_slice %dot_general3A_659 {offsets = [0, 0], sizes = [128, 1], strides = [1, 1]} : vector<128x8xf32> to vector<128x1xf32>
    %dot_general3A_661 = arith.constant dense<0.000000e+00> : vector<128x8xf32>
    %dot_general3A_662 = tpu.matmul %convert_element_type3A_650, %broadcast_in_dim3A_4, %dot_general3A_661 {dimension_numbers = #tpu.dot_dimension_numbers<[1], [0], [0], [1], [0, 0, 1, 1], [], []>, transpose_lhs_hint = false} : vector<128x1024xf32>, vector<1024x8xf32>, vector<128x8xf32> -> vector<128x8xf32>
    %slice3A_663 = vector.extract_strided_slice %dot_general3A_662 {offsets = [0, 0], sizes = [128, 1], strides = [1, 1]} : vector<128x8xf32> to vector<128x1xf32>
    %dot_general3A_664 = arith.constant dense<0.000000e+00> : vector<128x8xf32>
    %dot_general3A_665 = tpu.matmul %convert_element_type3A_654, %broadcast_in_dim3A_4, %dot_general3A_664 {dimension_numbers = #tpu.dot_dimension_numbers<[1], [0], [0], [1], [0, 0, 1, 1], [], []>, transpose_lhs_hint = false} : vector<128x1024xf32>, vector<1024x8xf32>, vector<128x8xf32> -> vector<128x8xf32>
    %slice3A_666 = vector.extract_strided_slice %dot_general3A_665 {offsets = [0, 0], sizes = [128, 1], strides = [1, 1]} : vector<128x8xf32> to vector<128x1xf32>
    %ge3A_667 = arith.constant 1.020000e+02 : f32
    %ge3A_668 = vector.broadcast %ge3A_667 : f32 to vector<128x1xf32>
    %ge3A_669 = arith.cmpf oge, %slice3A_657, %ge3A_668 : vector<128x1xf32>
    %select_n3A_670 = arith.select %ge3A_669, %or3A_629, %select_n3A_614 : vector<128x1xi1>, vector<128x1xi32>
    %ge3A_671 = arith.constant 1.020000e+02 : f32
    %ge3A_672 = vector.broadcast %ge3A_671 : f32 to vector<128x1xf32>
    %ge3A_673 = arith.cmpf oge, %slice3A_660, %ge3A_672 : vector<128x1xf32>
    %select_n3A_674 = arith.select %ge3A_673, %or3A_632, %select_n3A_618 : vector<128x1xi1>, vector<128x1xi32>
    %ge3A_675 = arith.constant 1.020000e+02 : f32
    %ge3A_676 = vector.broadcast %ge3A_675 : f32 to vector<128x1xf32>
    %ge3A_677 = arith.cmpf oge, %slice3A_663, %ge3A_676 : vector<128x1xf32>
    %select_n3A_678 = arith.select %ge3A_677, %or3A_635, %select_n3A_622 : vector<128x1xi1>, vector<128x1xi32>
    %ge3A_679 = arith.constant 1.020000e+02 : f32
    %ge3A_680 = vector.broadcast %ge3A_679 : f32 to vector<128x1xf32>
    %ge3A_681 = arith.cmpf oge, %slice3A_666, %ge3A_680 : vector<128x1xf32>
    %select_n3A_682 = arith.select %ge3A_681, %or3A_638, %select_n3A_626 : vector<128x1xi1>, vector<128x1xi32>
    %or3A_683 = arith.constant 262144 : i32
    %or3A_684 = vector.broadcast %or3A_683 : i32 to vector<128x1xi32>
    %or3A_685 = arith.ori %select_n3A_670, %or3A_684 : vector<128x1xi32>
    %or3A_686 = arith.constant 262144 : i32
    %or3A_687 = vector.broadcast %or3A_686 : i32 to vector<128x1xi32>
    %or3A_688 = arith.ori %select_n3A_674, %or3A_687 : vector<128x1xi32>
    %or3A_689 = arith.constant 262144 : i32
    %or3A_690 = vector.broadcast %or3A_689 : i32 to vector<128x1xi32>
    %or3A_691 = arith.ori %select_n3A_678, %or3A_690 : vector<128x1xi32>
    %or3A_692 = arith.constant 262144 : i32
    %or3A_693 = vector.broadcast %or3A_692 : i32 to vector<128x1xi32>
    %or3A_694 = arith.ori %select_n3A_682, %or3A_693 : vector<128x1xi32>
    %ge3A_695 = vector.broadcast %or3A_685 : vector<128x1xi32> to vector<128x1024xi32>
    %ge3A_696 = arith.cmpi sge, %slice3A, %ge3A_695 : vector<128x1024xi32>
    %convert_element_type3A_697 = arith.extui %ge3A_696 : vector<128x1024xi1> to vector<128x1024xi32>
    %convert_element_type3A_698 = arith.sitofp %convert_element_type3A_697 : vector<128x1024xi32> to vector<128x1024xf32>
    %ge3A_699 = vector.broadcast %or3A_688 : vector<128x1xi32> to vector<128x1024xi32>
    %ge3A_700 = arith.cmpi sge, %slice3A_5, %ge3A_699 : vector<128x1024xi32>
    %convert_element_type3A_701 = arith.extui %ge3A_700 : vector<128x1024xi1> to vector<128x1024xi32>
    %convert_element_type3A_702 = arith.sitofp %convert_element_type3A_701 : vector<128x1024xi32> to vector<128x1024xf32>
    %ge3A_703 = vector.broadcast %or3A_691 : vector<128x1xi32> to vector<128x1024xi32>
    %ge3A_704 = arith.cmpi sge, %slice3A_6, %ge3A_703 : vector<128x1024xi32>
    %convert_element_type3A_705 = arith.extui %ge3A_704 : vector<128x1024xi1> to vector<128x1024xi32>
    %convert_element_type3A_706 = arith.sitofp %convert_element_type3A_705 : vector<128x1024xi32> to vector<128x1024xf32>
    %ge3A_707 = vector.broadcast %or3A_694 : vector<128x1xi32> to vector<128x1024xi32>
    %ge3A_708 = arith.cmpi sge, %slice3A_7, %ge3A_707 : vector<128x1024xi32>
    %convert_element_type3A_709 = arith.extui %ge3A_708 : vector<128x1024xi1> to vector<128x1024xi32>
    %convert_element_type3A_710 = arith.sitofp %convert_element_type3A_709 : vector<128x1024xi32> to vector<128x1024xf32>
    %dot_general3A_711 = arith.constant dense<0.000000e+00> : vector<128x8xf32>
    %dot_general3A_712 = tpu.matmul %convert_element_type3A_698, %broadcast_in_dim3A_4, %dot_general3A_711 {dimension_numbers = #tpu.dot_dimension_numbers<[1], [0], [0], [1], [0, 0, 1, 1], [], []>, transpose_lhs_hint = false} : vector<128x1024xf32>, vector<1024x8xf32>, vector<128x8xf32> -> vector<128x8xf32>
    %slice3A_713 = vector.extract_strided_slice %dot_general3A_712 {offsets = [0, 0], sizes = [128, 1], strides = [1, 1]} : vector<128x8xf32> to vector<128x1xf32>
    %dot_general3A_714 = arith.constant dense<0.000000e+00> : vector<128x8xf32>
    %dot_general3A_715 = tpu.matmul %convert_element_type3A_702, %broadcast_in_dim3A_4, %dot_general3A_714 {dimension_numbers = #tpu.dot_dimension_numbers<[1], [0], [0], [1], [0, 0, 1, 1], [], []>, transpose_lhs_hint = false} : vector<128x1024xf32>, vector<1024x8xf32>, vector<128x8xf32> -> vector<128x8xf32>
    %slice3A_716 = vector.extract_strided_slice %dot_general3A_715 {offsets = [0, 0], sizes = [128, 1], strides = [1, 1]} : vector<128x8xf32> to vector<128x1xf32>
    %dot_general3A_717 = arith.constant dense<0.000000e+00> : vector<128x8xf32>
    %dot_general3A_718 = tpu.matmul %convert_element_type3A_706, %broadcast_in_dim3A_4, %dot_general3A_717 {dimension_numbers = #tpu.dot_dimension_numbers<[1], [0], [0], [1], [0, 0, 1, 1], [], []>, transpose_lhs_hint = false} : vector<128x1024xf32>, vector<1024x8xf32>, vector<128x8xf32> -> vector<128x8xf32>
    %slice3A_719 = vector.extract_strided_slice %dot_general3A_718 {offsets = [0, 0], sizes = [128, 1], strides = [1, 1]} : vector<128x8xf32> to vector<128x1xf32>
    %dot_general3A_720 = arith.constant dense<0.000000e+00> : vector<128x8xf32>
    %dot_general3A_721 = tpu.matmul %convert_element_type3A_710, %broadcast_in_dim3A_4, %dot_general3A_720 {dimension_numbers = #tpu.dot_dimension_numbers<[1], [0], [0], [1], [0, 0, 1, 1], [], []>, transpose_lhs_hint = false} : vector<128x1024xf32>, vector<1024x8xf32>, vector<128x8xf32> -> vector<128x8xf32>
    %slice3A_722 = vector.extract_strided_slice %dot_general3A_721 {offsets = [0, 0], sizes = [128, 1], strides = [1, 1]} : vector<128x8xf32> to vector<128x1xf32>
    %ge3A_723 = arith.constant 1.020000e+02 : f32
    %ge3A_724 = vector.broadcast %ge3A_723 : f32 to vector<128x1xf32>
    %ge3A_725 = arith.cmpf oge, %slice3A_713, %ge3A_724 : vector<128x1xf32>
    %select_n3A_726 = arith.select %ge3A_725, %or3A_685, %select_n3A_670 : vector<128x1xi1>, vector<128x1xi32>
    %ge3A_727 = arith.constant 1.020000e+02 : f32
    %ge3A_728 = vector.broadcast %ge3A_727 : f32 to vector<128x1xf32>
    %ge3A_729 = arith.cmpf oge, %slice3A_716, %ge3A_728 : vector<128x1xf32>
    %select_n3A_730 = arith.select %ge3A_729, %or3A_688, %select_n3A_674 : vector<128x1xi1>, vector<128x1xi32>
    %ge3A_731 = arith.constant 1.020000e+02 : f32
    %ge3A_732 = vector.broadcast %ge3A_731 : f32 to vector<128x1xf32>
    %ge3A_733 = arith.cmpf oge, %slice3A_719, %ge3A_732 : vector<128x1xf32>
    %select_n3A_734 = arith.select %ge3A_733, %or3A_691, %select_n3A_678 : vector<128x1xi1>, vector<128x1xi32>
    %ge3A_735 = arith.constant 1.020000e+02 : f32
    %ge3A_736 = vector.broadcast %ge3A_735 : f32 to vector<128x1xf32>
    %ge3A_737 = arith.cmpf oge, %slice3A_722, %ge3A_736 : vector<128x1xf32>
    %select_n3A_738 = arith.select %ge3A_737, %or3A_694, %select_n3A_682 : vector<128x1xi1>, vector<128x1xi32>
    %or3A_739 = arith.constant 131072 : i32
    %or3A_740 = vector.broadcast %or3A_739 : i32 to vector<128x1xi32>
    %or3A_741 = arith.ori %select_n3A_726, %or3A_740 : vector<128x1xi32>
    %or3A_742 = arith.constant 131072 : i32
    %or3A_743 = vector.broadcast %or3A_742 : i32 to vector<128x1xi32>
    %or3A_744 = arith.ori %select_n3A_730, %or3A_743 : vector<128x1xi32>
    %or3A_745 = arith.constant 131072 : i32
    %or3A_746 = vector.broadcast %or3A_745 : i32 to vector<128x1xi32>
    %or3A_747 = arith.ori %select_n3A_734, %or3A_746 : vector<128x1xi32>
    %or3A_748 = arith.constant 131072 : i32
    %or3A_749 = vector.broadcast %or3A_748 : i32 to vector<128x1xi32>
    %or3A_750 = arith.ori %select_n3A_738, %or3A_749 : vector<128x1xi32>
    %ge3A_751 = vector.broadcast %or3A_741 : vector<128x1xi32> to vector<128x1024xi32>
    %ge3A_752 = arith.cmpi sge, %slice3A, %ge3A_751 : vector<128x1024xi32>
    %convert_element_type3A_753 = arith.extui %ge3A_752 : vector<128x1024xi1> to vector<128x1024xi32>
    %convert_element_type3A_754 = arith.sitofp %convert_element_type3A_753 : vector<128x1024xi32> to vector<128x1024xf32>
    %ge3A_755 = vector.broadcast %or3A_744 : vector<128x1xi32> to vector<128x1024xi32>
    %ge3A_756 = arith.cmpi sge, %slice3A_5, %ge3A_755 : vector<128x1024xi32>
    %convert_element_type3A_757 = arith.extui %ge3A_756 : vector<128x1024xi1> to vector<128x1024xi32>
    %convert_element_type3A_758 = arith.sitofp %convert_element_type3A_757 : vector<128x1024xi32> to vector<128x1024xf32>
    %ge3A_759 = vector.broadcast %or3A_747 : vector<128x1xi32> to vector<128x1024xi32>
    %ge3A_760 = arith.cmpi sge, %slice3A_6, %ge3A_759 : vector<128x1024xi32>
    %convert_element_type3A_761 = arith.extui %ge3A_760 : vector<128x1024xi1> to vector<128x1024xi32>
    %convert_element_type3A_762 = arith.sitofp %convert_element_type3A_761 : vector<128x1024xi32> to vector<128x1024xf32>
    %ge3A_763 = vector.broadcast %or3A_750 : vector<128x1xi32> to vector<128x1024xi32>
    %ge3A_764 = arith.cmpi sge, %slice3A_7, %ge3A_763 : vector<128x1024xi32>
    %convert_element_type3A_765 = arith.extui %ge3A_764 : vector<128x1024xi1> to vector<128x1024xi32>
    %convert_element_type3A_766 = arith.sitofp %convert_element_type3A_765 : vector<128x1024xi32> to vector<128x1024xf32>
    %dot_general3A_767 = arith.constant dense<0.000000e+00> : vector<128x8xf32>
    %dot_general3A_768 = tpu.matmul %convert_element_type3A_754, %broadcast_in_dim3A_4, %dot_general3A_767 {dimension_numbers = #tpu.dot_dimension_numbers<[1], [0], [0], [1], [0, 0, 1, 1], [], []>, transpose_lhs_hint = false} : vector<128x1024xf32>, vector<1024x8xf32>, vector<128x8xf32> -> vector<128x8xf32>
    %slice3A_769 = vector.extract_strided_slice %dot_general3A_768 {offsets = [0, 0], sizes = [128, 1], strides = [1, 1]} : vector<128x8xf32> to vector<128x1xf32>
    %dot_general3A_770 = arith.constant dense<0.000000e+00> : vector<128x8xf32>
    %dot_general3A_771 = tpu.matmul %convert_element_type3A_758, %broadcast_in_dim3A_4, %dot_general3A_770 {dimension_numbers = #tpu.dot_dimension_numbers<[1], [0], [0], [1], [0, 0, 1, 1], [], []>, transpose_lhs_hint = false} : vector<128x1024xf32>, vector<1024x8xf32>, vector<128x8xf32> -> vector<128x8xf32>
    %slice3A_772 = vector.extract_strided_slice %dot_general3A_771 {offsets = [0, 0], sizes = [128, 1], strides = [1, 1]} : vector<128x8xf32> to vector<128x1xf32>
    %dot_general3A_773 = arith.constant dense<0.000000e+00> : vector<128x8xf32>
    %dot_general3A_774 = tpu.matmul %convert_element_type3A_762, %broadcast_in_dim3A_4, %dot_general3A_773 {dimension_numbers = #tpu.dot_dimension_numbers<[1], [0], [0], [1], [0, 0, 1, 1], [], []>, transpose_lhs_hint = false} : vector<128x1024xf32>, vector<1024x8xf32>, vector<128x8xf32> -> vector<128x8xf32>
    %slice3A_775 = vector.extract_strided_slice %dot_general3A_774 {offsets = [0, 0], sizes = [128, 1], strides = [1, 1]} : vector<128x8xf32> to vector<128x1xf32>
    %dot_general3A_776 = arith.constant dense<0.000000e+00> : vector<128x8xf32>
    %dot_general3A_777 = tpu.matmul %convert_element_type3A_766, %broadcast_in_dim3A_4, %dot_general3A_776 {dimension_numbers = #tpu.dot_dimension_numbers<[1], [0], [0], [1], [0, 0, 1, 1], [], []>, transpose_lhs_hint = false} : vector<128x1024xf32>, vector<1024x8xf32>, vector<128x8xf32> -> vector<128x8xf32>
    %slice3A_778 = vector.extract_strided_slice %dot_general3A_777 {offsets = [0, 0], sizes = [128, 1], strides = [1, 1]} : vector<128x8xf32> to vector<128x1xf32>
    %ge3A_779 = arith.constant 1.020000e+02 : f32
    %ge3A_780 = vector.broadcast %ge3A_779 : f32 to vector<128x1xf32>
    %ge3A_781 = arith.cmpf oge, %slice3A_769, %ge3A_780 : vector<128x1xf32>
    %select_n3A_782 = arith.select %ge3A_781, %or3A_741, %select_n3A_726 : vector<128x1xi1>, vector<128x1xi32>
    %ge3A_783 = arith.constant 1.020000e+02 : f32
    %ge3A_784 = vector.broadcast %ge3A_783 : f32 to vector<128x1xf32>
    %ge3A_785 = arith.cmpf oge, %slice3A_772, %ge3A_784 : vector<128x1xf32>
    %select_n3A_786 = arith.select %ge3A_785, %or3A_744, %select_n3A_730 : vector<128x1xi1>, vector<128x1xi32>
    %ge3A_787 = arith.constant 1.020000e+02 : f32
    %ge3A_788 = vector.broadcast %ge3A_787 : f32 to vector<128x1xf32>
    %ge3A_789 = arith.cmpf oge, %slice3A_775, %ge3A_788 : vector<128x1xf32>
    %select_n3A_790 = arith.select %ge3A_789, %or3A_747, %select_n3A_734 : vector<128x1xi1>, vector<128x1xi32>
    %ge3A_791 = arith.constant 1.020000e+02 : f32
    %ge3A_792 = vector.broadcast %ge3A_791 : f32 to vector<128x1xf32>
    %ge3A_793 = arith.cmpf oge, %slice3A_778, %ge3A_792 : vector<128x1xf32>
    %select_n3A_794 = arith.select %ge3A_793, %or3A_750, %select_n3A_738 : vector<128x1xi1>, vector<128x1xi32>
    %or3A_795 = arith.constant 65536 : i32
    %or3A_796 = vector.broadcast %or3A_795 : i32 to vector<128x1xi32>
    %or3A_797 = arith.ori %select_n3A_782, %or3A_796 : vector<128x1xi32>
    %or3A_798 = arith.constant 65536 : i32
    %or3A_799 = vector.broadcast %or3A_798 : i32 to vector<128x1xi32>
    %or3A_800 = arith.ori %select_n3A_786, %or3A_799 : vector<128x1xi32>
    %or3A_801 = arith.constant 65536 : i32
    %or3A_802 = vector.broadcast %or3A_801 : i32 to vector<128x1xi32>
    %or3A_803 = arith.ori %select_n3A_790, %or3A_802 : vector<128x1xi32>
    %or3A_804 = arith.constant 65536 : i32
    %or3A_805 = vector.broadcast %or3A_804 : i32 to vector<128x1xi32>
    %or3A_806 = arith.ori %select_n3A_794, %or3A_805 : vector<128x1xi32>
    %ge3A_807 = vector.broadcast %or3A_797 : vector<128x1xi32> to vector<128x1024xi32>
    %ge3A_808 = arith.cmpi sge, %slice3A, %ge3A_807 : vector<128x1024xi32>
    %convert_element_type3A_809 = arith.extui %ge3A_808 : vector<128x1024xi1> to vector<128x1024xi32>
    %convert_element_type3A_810 = arith.sitofp %convert_element_type3A_809 : vector<128x1024xi32> to vector<128x1024xf32>
    %ge3A_811 = vector.broadcast %or3A_800 : vector<128x1xi32> to vector<128x1024xi32>
    %ge3A_812 = arith.cmpi sge, %slice3A_5, %ge3A_811 : vector<128x1024xi32>
    %convert_element_type3A_813 = arith.extui %ge3A_812 : vector<128x1024xi1> to vector<128x1024xi32>
    %convert_element_type3A_814 = arith.sitofp %convert_element_type3A_813 : vector<128x1024xi32> to vector<128x1024xf32>
    %ge3A_815 = vector.broadcast %or3A_803 : vector<128x1xi32> to vector<128x1024xi32>
    %ge3A_816 = arith.cmpi sge, %slice3A_6, %ge3A_815 : vector<128x1024xi32>
    %convert_element_type3A_817 = arith.extui %ge3A_816 : vector<128x1024xi1> to vector<128x1024xi32>
    %convert_element_type3A_818 = arith.sitofp %convert_element_type3A_817 : vector<128x1024xi32> to vector<128x1024xf32>
    %ge3A_819 = vector.broadcast %or3A_806 : vector<128x1xi32> to vector<128x1024xi32>
    %ge3A_820 = arith.cmpi sge, %slice3A_7, %ge3A_819 : vector<128x1024xi32>
    %convert_element_type3A_821 = arith.extui %ge3A_820 : vector<128x1024xi1> to vector<128x1024xi32>
    %convert_element_type3A_822 = arith.sitofp %convert_element_type3A_821 : vector<128x1024xi32> to vector<128x1024xf32>
    %dot_general3A_823 = arith.constant dense<0.000000e+00> : vector<128x8xf32>
    %dot_general3A_824 = tpu.matmul %convert_element_type3A_810, %broadcast_in_dim3A_4, %dot_general3A_823 {dimension_numbers = #tpu.dot_dimension_numbers<[1], [0], [0], [1], [0, 0, 1, 1], [], []>, transpose_lhs_hint = false} : vector<128x1024xf32>, vector<1024x8xf32>, vector<128x8xf32> -> vector<128x8xf32>
    %slice3A_825 = vector.extract_strided_slice %dot_general3A_824 {offsets = [0, 0], sizes = [128, 1], strides = [1, 1]} : vector<128x8xf32> to vector<128x1xf32>
    %dot_general3A_826 = arith.constant dense<0.000000e+00> : vector<128x8xf32>
    %dot_general3A_827 = tpu.matmul %convert_element_type3A_814, %broadcast_in_dim3A_4, %dot_general3A_826 {dimension_numbers = #tpu.dot_dimension_numbers<[1], [0], [0], [1], [0, 0, 1, 1], [], []>, transpose_lhs_hint = false} : vector<128x1024xf32>, vector<1024x8xf32>, vector<128x8xf32> -> vector<128x8xf32>
    %slice3A_828 = vector.extract_strided_slice %dot_general3A_827 {offsets = [0, 0], sizes = [128, 1], strides = [1, 1]} : vector<128x8xf32> to vector<128x1xf32>
    %dot_general3A_829 = arith.constant dense<0.000000e+00> : vector<128x8xf32>
    %dot_general3A_830 = tpu.matmul %convert_element_type3A_818, %broadcast_in_dim3A_4, %dot_general3A_829 {dimension_numbers = #tpu.dot_dimension_numbers<[1], [0], [0], [1], [0, 0, 1, 1], [], []>, transpose_lhs_hint = false} : vector<128x1024xf32>, vector<1024x8xf32>, vector<128x8xf32> -> vector<128x8xf32>
    %slice3A_831 = vector.extract_strided_slice %dot_general3A_830 {offsets = [0, 0], sizes = [128, 1], strides = [1, 1]} : vector<128x8xf32> to vector<128x1xf32>
    %dot_general3A_832 = arith.constant dense<0.000000e+00> : vector<128x8xf32>
    %dot_general3A_833 = tpu.matmul %convert_element_type3A_822, %broadcast_in_dim3A_4, %dot_general3A_832 {dimension_numbers = #tpu.dot_dimension_numbers<[1], [0], [0], [1], [0, 0, 1, 1], [], []>, transpose_lhs_hint = false} : vector<128x1024xf32>, vector<1024x8xf32>, vector<128x8xf32> -> vector<128x8xf32>
    %slice3A_834 = vector.extract_strided_slice %dot_general3A_833 {offsets = [0, 0], sizes = [128, 1], strides = [1, 1]} : vector<128x8xf32> to vector<128x1xf32>
    %ge3A_835 = arith.constant 1.020000e+02 : f32
    %ge3A_836 = vector.broadcast %ge3A_835 : f32 to vector<128x1xf32>
    %ge3A_837 = arith.cmpf oge, %slice3A_825, %ge3A_836 : vector<128x1xf32>
    %select_n3A_838 = arith.select %ge3A_837, %or3A_797, %select_n3A_782 : vector<128x1xi1>, vector<128x1xi32>
    %ge3A_839 = arith.constant 1.020000e+02 : f32
    %ge3A_840 = vector.broadcast %ge3A_839 : f32 to vector<128x1xf32>
    %ge3A_841 = arith.cmpf oge, %slice3A_828, %ge3A_840 : vector<128x1xf32>
    %select_n3A_842 = arith.select %ge3A_841, %or3A_800, %select_n3A_786 : vector<128x1xi1>, vector<128x1xi32>
    %ge3A_843 = arith.constant 1.020000e+02 : f32
    %ge3A_844 = vector.broadcast %ge3A_843 : f32 to vector<128x1xf32>
    %ge3A_845 = arith.cmpf oge, %slice3A_831, %ge3A_844 : vector<128x1xf32>
    %select_n3A_846 = arith.select %ge3A_845, %or3A_803, %select_n3A_790 : vector<128x1xi1>, vector<128x1xi32>
    %ge3A_847 = arith.constant 1.020000e+02 : f32
    %ge3A_848 = vector.broadcast %ge3A_847 : f32 to vector<128x1xf32>
    %ge3A_849 = arith.cmpf oge, %slice3A_834, %ge3A_848 : vector<128x1xf32>
    %select_n3A_850 = arith.select %ge3A_849, %or3A_806, %select_n3A_794 : vector<128x1xi1>, vector<128x1xi32>
    %or3A_851 = arith.constant 32768 : i32
    %or3A_852 = vector.broadcast %or3A_851 : i32 to vector<128x1xi32>
    %or3A_853 = arith.ori %select_n3A_838, %or3A_852 : vector<128x1xi32>
    %or3A_854 = arith.constant 32768 : i32
    %or3A_855 = vector.broadcast %or3A_854 : i32 to vector<128x1xi32>
    %or3A_856 = arith.ori %select_n3A_842, %or3A_855 : vector<128x1xi32>
    %or3A_857 = arith.constant 32768 : i32
    %or3A_858 = vector.broadcast %or3A_857 : i32 to vector<128x1xi32>
    %or3A_859 = arith.ori %select_n3A_846, %or3A_858 : vector<128x1xi32>
    %or3A_860 = arith.constant 32768 : i32
    %or3A_861 = vector.broadcast %or3A_860 : i32 to vector<128x1xi32>
    %or3A_862 = arith.ori %select_n3A_850, %or3A_861 : vector<128x1xi32>
    %ge3A_863 = vector.broadcast %or3A_853 : vector<128x1xi32> to vector<128x1024xi32>
    %ge3A_864 = arith.cmpi sge, %slice3A, %ge3A_863 : vector<128x1024xi32>
    %convert_element_type3A_865 = arith.extui %ge3A_864 : vector<128x1024xi1> to vector<128x1024xi32>
    %convert_element_type3A_866 = arith.sitofp %convert_element_type3A_865 : vector<128x1024xi32> to vector<128x1024xf32>
    %ge3A_867 = vector.broadcast %or3A_856 : vector<128x1xi32> to vector<128x1024xi32>
    %ge3A_868 = arith.cmpi sge, %slice3A_5, %ge3A_867 : vector<128x1024xi32>
    %convert_element_type3A_869 = arith.extui %ge3A_868 : vector<128x1024xi1> to vector<128x1024xi32>
    %convert_element_type3A_870 = arith.sitofp %convert_element_type3A_869 : vector<128x1024xi32> to vector<128x1024xf32>
    %ge3A_871 = vector.broadcast %or3A_859 : vector<128x1xi32> to vector<128x1024xi32>
    %ge3A_872 = arith.cmpi sge, %slice3A_6, %ge3A_871 : vector<128x1024xi32>
    %convert_element_type3A_873 = arith.extui %ge3A_872 : vector<128x1024xi1> to vector<128x1024xi32>
    %convert_element_type3A_874 = arith.sitofp %convert_element_type3A_873 : vector<128x1024xi32> to vector<128x1024xf32>
    %ge3A_875 = vector.broadcast %or3A_862 : vector<128x1xi32> to vector<128x1024xi32>
    %ge3A_876 = arith.cmpi sge, %slice3A_7, %ge3A_875 : vector<128x1024xi32>
    %convert_element_type3A_877 = arith.extui %ge3A_876 : vector<128x1024xi1> to vector<128x1024xi32>
    %convert_element_type3A_878 = arith.sitofp %convert_element_type3A_877 : vector<128x1024xi32> to vector<128x1024xf32>
    %dot_general3A_879 = arith.constant dense<0.000000e+00> : vector<128x8xf32>
    %dot_general3A_880 = tpu.matmul %convert_element_type3A_866, %broadcast_in_dim3A_4, %dot_general3A_879 {dimension_numbers = #tpu.dot_dimension_numbers<[1], [0], [0], [1], [0, 0, 1, 1], [], []>, transpose_lhs_hint = false} : vector<128x1024xf32>, vector<1024x8xf32>, vector<128x8xf32> -> vector<128x8xf32>
    %slice3A_881 = vector.extract_strided_slice %dot_general3A_880 {offsets = [0, 0], sizes = [128, 1], strides = [1, 1]} : vector<128x8xf32> to vector<128x1xf32>
    %dot_general3A_882 = arith.constant dense<0.000000e+00> : vector<128x8xf32>
    %dot_general3A_883 = tpu.matmul %convert_element_type3A_870, %broadcast_in_dim3A_4, %dot_general3A_882 {dimension_numbers = #tpu.dot_dimension_numbers<[1], [0], [0], [1], [0, 0, 1, 1], [], []>, transpose_lhs_hint = false} : vector<128x1024xf32>, vector<1024x8xf32>, vector<128x8xf32> -> vector<128x8xf32>
    %slice3A_884 = vector.extract_strided_slice %dot_general3A_883 {offsets = [0, 0], sizes = [128, 1], strides = [1, 1]} : vector<128x8xf32> to vector<128x1xf32>
    %dot_general3A_885 = arith.constant dense<0.000000e+00> : vector<128x8xf32>
    %dot_general3A_886 = tpu.matmul %convert_element_type3A_874, %broadcast_in_dim3A_4, %dot_general3A_885 {dimension_numbers = #tpu.dot_dimension_numbers<[1], [0], [0], [1], [0, 0, 1, 1], [], []>, transpose_lhs_hint = false} : vector<128x1024xf32>, vector<1024x8xf32>, vector<128x8xf32> -> vector<128x8xf32>
    %slice3A_887 = vector.extract_strided_slice %dot_general3A_886 {offsets = [0, 0], sizes = [128, 1], strides = [1, 1]} : vector<128x8xf32> to vector<128x1xf32>
    %dot_general3A_888 = arith.constant dense<0.000000e+00> : vector<128x8xf32>
    %dot_general3A_889 = tpu.matmul %convert_element_type3A_878, %broadcast_in_dim3A_4, %dot_general3A_888 {dimension_numbers = #tpu.dot_dimension_numbers<[1], [0], [0], [1], [0, 0, 1, 1], [], []>, transpose_lhs_hint = false} : vector<128x1024xf32>, vector<1024x8xf32>, vector<128x8xf32> -> vector<128x8xf32>
    %slice3A_890 = vector.extract_strided_slice %dot_general3A_889 {offsets = [0, 0], sizes = [128, 1], strides = [1, 1]} : vector<128x8xf32> to vector<128x1xf32>
    %ge3A_891 = arith.constant 1.020000e+02 : f32
    %ge3A_892 = vector.broadcast %ge3A_891 : f32 to vector<128x1xf32>
    %ge3A_893 = arith.cmpf oge, %slice3A_881, %ge3A_892 : vector<128x1xf32>
    %select_n3A_894 = arith.select %ge3A_893, %or3A_853, %select_n3A_838 : vector<128x1xi1>, vector<128x1xi32>
    %ge3A_895 = arith.constant 1.020000e+02 : f32
    %ge3A_896 = vector.broadcast %ge3A_895 : f32 to vector<128x1xf32>
    %ge3A_897 = arith.cmpf oge, %slice3A_884, %ge3A_896 : vector<128x1xf32>
    %select_n3A_898 = arith.select %ge3A_897, %or3A_856, %select_n3A_842 : vector<128x1xi1>, vector<128x1xi32>
    %ge3A_899 = arith.constant 1.020000e+02 : f32
    %ge3A_900 = vector.broadcast %ge3A_899 : f32 to vector<128x1xf32>
    %ge3A_901 = arith.cmpf oge, %slice3A_887, %ge3A_900 : vector<128x1xf32>
    %select_n3A_902 = arith.select %ge3A_901, %or3A_859, %select_n3A_846 : vector<128x1xi1>, vector<128x1xi32>
    %ge3A_903 = arith.constant 1.020000e+02 : f32
    %ge3A_904 = vector.broadcast %ge3A_903 : f32 to vector<128x1xf32>
    %ge3A_905 = arith.cmpf oge, %slice3A_890, %ge3A_904 : vector<128x1xf32>
    %select_n3A_906 = arith.select %ge3A_905, %or3A_862, %select_n3A_850 : vector<128x1xi1>, vector<128x1xi32>
    %or3A_907 = arith.constant 16384 : i32
    %or3A_908 = vector.broadcast %or3A_907 : i32 to vector<128x1xi32>
    %or3A_909 = arith.ori %select_n3A_894, %or3A_908 : vector<128x1xi32>
    %or3A_910 = arith.constant 16384 : i32
    %or3A_911 = vector.broadcast %or3A_910 : i32 to vector<128x1xi32>
    %or3A_912 = arith.ori %select_n3A_898, %or3A_911 : vector<128x1xi32>
    %or3A_913 = arith.constant 16384 : i32
    %or3A_914 = vector.broadcast %or3A_913 : i32 to vector<128x1xi32>
    %or3A_915 = arith.ori %select_n3A_902, %or3A_914 : vector<128x1xi32>
    %or3A_916 = arith.constant 16384 : i32
    %or3A_917 = vector.broadcast %or3A_916 : i32 to vector<128x1xi32>
    %or3A_918 = arith.ori %select_n3A_906, %or3A_917 : vector<128x1xi32>
    %ge3A_919 = vector.broadcast %or3A_909 : vector<128x1xi32> to vector<128x1024xi32>
    %ge3A_920 = arith.cmpi sge, %slice3A, %ge3A_919 : vector<128x1024xi32>
    %convert_element_type3A_921 = arith.extui %ge3A_920 : vector<128x1024xi1> to vector<128x1024xi32>
    %convert_element_type3A_922 = arith.sitofp %convert_element_type3A_921 : vector<128x1024xi32> to vector<128x1024xf32>
    %ge3A_923 = vector.broadcast %or3A_912 : vector<128x1xi32> to vector<128x1024xi32>
    %ge3A_924 = arith.cmpi sge, %slice3A_5, %ge3A_923 : vector<128x1024xi32>
    %convert_element_type3A_925 = arith.extui %ge3A_924 : vector<128x1024xi1> to vector<128x1024xi32>
    %convert_element_type3A_926 = arith.sitofp %convert_element_type3A_925 : vector<128x1024xi32> to vector<128x1024xf32>
    %ge3A_927 = vector.broadcast %or3A_915 : vector<128x1xi32> to vector<128x1024xi32>
    %ge3A_928 = arith.cmpi sge, %slice3A_6, %ge3A_927 : vector<128x1024xi32>
    %convert_element_type3A_929 = arith.extui %ge3A_928 : vector<128x1024xi1> to vector<128x1024xi32>
    %convert_element_type3A_930 = arith.sitofp %convert_element_type3A_929 : vector<128x1024xi32> to vector<128x1024xf32>
    %ge3A_931 = vector.broadcast %or3A_918 : vector<128x1xi32> to vector<128x1024xi32>
    %ge3A_932 = arith.cmpi sge, %slice3A_7, %ge3A_931 : vector<128x1024xi32>
    %convert_element_type3A_933 = arith.extui %ge3A_932 : vector<128x1024xi1> to vector<128x1024xi32>
    %convert_element_type3A_934 = arith.sitofp %convert_element_type3A_933 : vector<128x1024xi32> to vector<128x1024xf32>
    %dot_general3A_935 = arith.constant dense<0.000000e+00> : vector<128x8xf32>
    %dot_general3A_936 = tpu.matmul %convert_element_type3A_922, %broadcast_in_dim3A_4, %dot_general3A_935 {dimension_numbers = #tpu.dot_dimension_numbers<[1], [0], [0], [1], [0, 0, 1, 1], [], []>, transpose_lhs_hint = false} : vector<128x1024xf32>, vector<1024x8xf32>, vector<128x8xf32> -> vector<128x8xf32>
    %slice3A_937 = vector.extract_strided_slice %dot_general3A_936 {offsets = [0, 0], sizes = [128, 1], strides = [1, 1]} : vector<128x8xf32> to vector<128x1xf32>
    %dot_general3A_938 = arith.constant dense<0.000000e+00> : vector<128x8xf32>
    %dot_general3A_939 = tpu.matmul %convert_element_type3A_926, %broadcast_in_dim3A_4, %dot_general3A_938 {dimension_numbers = #tpu.dot_dimension_numbers<[1], [0], [0], [1], [0, 0, 1, 1], [], []>, transpose_lhs_hint = false} : vector<128x1024xf32>, vector<1024x8xf32>, vector<128x8xf32> -> vector<128x8xf32>
    %slice3A_940 = vector.extract_strided_slice %dot_general3A_939 {offsets = [0, 0], sizes = [128, 1], strides = [1, 1]} : vector<128x8xf32> to vector<128x1xf32>
    %dot_general3A_941 = arith.constant dense<0.000000e+00> : vector<128x8xf32>
    %dot_general3A_942 = tpu.matmul %convert_element_type3A_930, %broadcast_in_dim3A_4, %dot_general3A_941 {dimension_numbers = #tpu.dot_dimension_numbers<[1], [0], [0], [1], [0, 0, 1, 1], [], []>, transpose_lhs_hint = false} : vector<128x1024xf32>, vector<1024x8xf32>, vector<128x8xf32> -> vector<128x8xf32>
    %slice3A_943 = vector.extract_strided_slice %dot_general3A_942 {offsets = [0, 0], sizes = [128, 1], strides = [1, 1]} : vector<128x8xf32> to vector<128x1xf32>
    %dot_general3A_944 = arith.constant dense<0.000000e+00> : vector<128x8xf32>
    %dot_general3A_945 = tpu.matmul %convert_element_type3A_934, %broadcast_in_dim3A_4, %dot_general3A_944 {dimension_numbers = #tpu.dot_dimension_numbers<[1], [0], [0], [1], [0, 0, 1, 1], [], []>, transpose_lhs_hint = false} : vector<128x1024xf32>, vector<1024x8xf32>, vector<128x8xf32> -> vector<128x8xf32>
    %slice3A_946 = vector.extract_strided_slice %dot_general3A_945 {offsets = [0, 0], sizes = [128, 1], strides = [1, 1]} : vector<128x8xf32> to vector<128x1xf32>
    %ge3A_947 = arith.constant 1.020000e+02 : f32
    %ge3A_948 = vector.broadcast %ge3A_947 : f32 to vector<128x1xf32>
    %ge3A_949 = arith.cmpf oge, %slice3A_937, %ge3A_948 : vector<128x1xf32>
    %select_n3A_950 = arith.select %ge3A_949, %or3A_909, %select_n3A_894 : vector<128x1xi1>, vector<128x1xi32>
    %ge3A_951 = arith.constant 1.020000e+02 : f32
    %ge3A_952 = vector.broadcast %ge3A_951 : f32 to vector<128x1xf32>
    %ge3A_953 = arith.cmpf oge, %slice3A_940, %ge3A_952 : vector<128x1xf32>
    %select_n3A_954 = arith.select %ge3A_953, %or3A_912, %select_n3A_898 : vector<128x1xi1>, vector<128x1xi32>
    %ge3A_955 = arith.constant 1.020000e+02 : f32
    %ge3A_956 = vector.broadcast %ge3A_955 : f32 to vector<128x1xf32>
    %ge3A_957 = arith.cmpf oge, %slice3A_943, %ge3A_956 : vector<128x1xf32>
    %select_n3A_958 = arith.select %ge3A_957, %or3A_915, %select_n3A_902 : vector<128x1xi1>, vector<128x1xi32>
    %ge3A_959 = arith.constant 1.020000e+02 : f32
    %ge3A_960 = vector.broadcast %ge3A_959 : f32 to vector<128x1xf32>
    %ge3A_961 = arith.cmpf oge, %slice3A_946, %ge3A_960 : vector<128x1xf32>
    %select_n3A_962 = arith.select %ge3A_961, %or3A_918, %select_n3A_906 : vector<128x1xi1>, vector<128x1xi32>
    %or3A_963 = arith.constant 8192 : i32
    %or3A_964 = vector.broadcast %or3A_963 : i32 to vector<128x1xi32>
    %or3A_965 = arith.ori %select_n3A_950, %or3A_964 : vector<128x1xi32>
    %or3A_966 = arith.constant 8192 : i32
    %or3A_967 = vector.broadcast %or3A_966 : i32 to vector<128x1xi32>
    %or3A_968 = arith.ori %select_n3A_954, %or3A_967 : vector<128x1xi32>
    %or3A_969 = arith.constant 8192 : i32
    %or3A_970 = vector.broadcast %or3A_969 : i32 to vector<128x1xi32>
    %or3A_971 = arith.ori %select_n3A_958, %or3A_970 : vector<128x1xi32>
    %or3A_972 = arith.constant 8192 : i32
    %or3A_973 = vector.broadcast %or3A_972 : i32 to vector<128x1xi32>
    %or3A_974 = arith.ori %select_n3A_962, %or3A_973 : vector<128x1xi32>
    %ge3A_975 = vector.broadcast %or3A_965 : vector<128x1xi32> to vector<128x1024xi32>
    %ge3A_976 = arith.cmpi sge, %slice3A, %ge3A_975 : vector<128x1024xi32>
    %convert_element_type3A_977 = arith.extui %ge3A_976 : vector<128x1024xi1> to vector<128x1024xi32>
    %convert_element_type3A_978 = arith.sitofp %convert_element_type3A_977 : vector<128x1024xi32> to vector<128x1024xf32>
    %ge3A_979 = vector.broadcast %or3A_968 : vector<128x1xi32> to vector<128x1024xi32>
    %ge3A_980 = arith.cmpi sge, %slice3A_5, %ge3A_979 : vector<128x1024xi32>
    %convert_element_type3A_981 = arith.extui %ge3A_980 : vector<128x1024xi1> to vector<128x1024xi32>
    %convert_element_type3A_982 = arith.sitofp %convert_element_type3A_981 : vector<128x1024xi32> to vector<128x1024xf32>
    %ge3A_983 = vector.broadcast %or3A_971 : vector<128x1xi32> to vector<128x1024xi32>
    %ge3A_984 = arith.cmpi sge, %slice3A_6, %ge3A_983 : vector<128x1024xi32>
    %convert_element_type3A_985 = arith.extui %ge3A_984 : vector<128x1024xi1> to vector<128x1024xi32>
    %convert_element_type3A_986 = arith.sitofp %convert_element_type3A_985 : vector<128x1024xi32> to vector<128x1024xf32>
    %ge3A_987 = vector.broadcast %or3A_974 : vector<128x1xi32> to vector<128x1024xi32>
    %ge3A_988 = arith.cmpi sge, %slice3A_7, %ge3A_987 : vector<128x1024xi32>
    %convert_element_type3A_989 = arith.extui %ge3A_988 : vector<128x1024xi1> to vector<128x1024xi32>
    %convert_element_type3A_990 = arith.sitofp %convert_element_type3A_989 : vector<128x1024xi32> to vector<128x1024xf32>
    %dot_general3A_991 = arith.constant dense<0.000000e+00> : vector<128x8xf32>
    %dot_general3A_992 = tpu.matmul %convert_element_type3A_978, %broadcast_in_dim3A_4, %dot_general3A_991 {dimension_numbers = #tpu.dot_dimension_numbers<[1], [0], [0], [1], [0, 0, 1, 1], [], []>, transpose_lhs_hint = false} : vector<128x1024xf32>, vector<1024x8xf32>, vector<128x8xf32> -> vector<128x8xf32>
    %slice3A_993 = vector.extract_strided_slice %dot_general3A_992 {offsets = [0, 0], sizes = [128, 1], strides = [1, 1]} : vector<128x8xf32> to vector<128x1xf32>
    %dot_general3A_994 = arith.constant dense<0.000000e+00> : vector<128x8xf32>
    %dot_general3A_995 = tpu.matmul %convert_element_type3A_982, %broadcast_in_dim3A_4, %dot_general3A_994 {dimension_numbers = #tpu.dot_dimension_numbers<[1], [0], [0], [1], [0, 0, 1, 1], [], []>, transpose_lhs_hint = false} : vector<128x1024xf32>, vector<1024x8xf32>, vector<128x8xf32> -> vector<128x8xf32>
    %slice3A_996 = vector.extract_strided_slice %dot_general3A_995 {offsets = [0, 0], sizes = [128, 1], strides = [1, 1]} : vector<128x8xf32> to vector<128x1xf32>
    %dot_general3A_997 = arith.constant dense<0.000000e+00> : vector<128x8xf32>
    %dot_general3A_998 = tpu.matmul %convert_element_type3A_986, %broadcast_in_dim3A_4, %dot_general3A_997 {dimension_numbers = #tpu.dot_dimension_numbers<[1], [0], [0], [1], [0, 0, 1, 1], [], []>, transpose_lhs_hint = false} : vector<128x1024xf32>, vector<1024x8xf32>, vector<128x8xf32> -> vector<128x8xf32>
    %slice3A_999 = vector.extract_strided_slice %dot_general3A_998 {offsets = [0, 0], sizes = [128, 1], strides = [1, 1]} : vector<128x8xf32> to vector<128x1xf32>
    %dot_general3A_1000 = arith.constant dense<0.000000e+00> : vector<128x8xf32>
    %dot_general3A_1001 = tpu.matmul %convert_element_type3A_990, %broadcast_in_dim3A_4, %dot_general3A_1000 {dimension_numbers = #tpu.dot_dimension_numbers<[1], [0], [0], [1], [0, 0, 1, 1], [], []>, transpose_lhs_hint = false} : vector<128x1024xf32>, vector<1024x8xf32>, vector<128x8xf32> -> vector<128x8xf32>
    %slice3A_1002 = vector.extract_strided_slice %dot_general3A_1001 {offsets = [0, 0], sizes = [128, 1], strides = [1, 1]} : vector<128x8xf32> to vector<128x1xf32>
    %ge3A_1003 = arith.constant 1.020000e+02 : f32
    %ge3A_1004 = vector.broadcast %ge3A_1003 : f32 to vector<128x1xf32>
    %ge3A_1005 = arith.cmpf oge, %slice3A_993, %ge3A_1004 : vector<128x1xf32>
    %select_n3A_1006 = arith.select %ge3A_1005, %or3A_965, %select_n3A_950 : vector<128x1xi1>, vector<128x1xi32>
    %ge3A_1007 = arith.constant 1.020000e+02 : f32
    %ge3A_1008 = vector.broadcast %ge3A_1007 : f32 to vector<128x1xf32>
    %ge3A_1009 = arith.cmpf oge, %slice3A_996, %ge3A_1008 : vector<128x1xf32>
    %select_n3A_1010 = arith.select %ge3A_1009, %or3A_968, %select_n3A_954 : vector<128x1xi1>, vector<128x1xi32>
    %ge3A_1011 = arith.constant 1.020000e+02 : f32
    %ge3A_1012 = vector.broadcast %ge3A_1011 : f32 to vector<128x1xf32>
    %ge3A_1013 = arith.cmpf oge, %slice3A_999, %ge3A_1012 : vector<128x1xf32>
    %select_n3A_1014 = arith.select %ge3A_1013, %or3A_971, %select_n3A_958 : vector<128x1xi1>, vector<128x1xi32>
    %ge3A_1015 = arith.constant 1.020000e+02 : f32
    %ge3A_1016 = vector.broadcast %ge3A_1015 : f32 to vector<128x1xf32>
    %ge3A_1017 = arith.cmpf oge, %slice3A_1002, %ge3A_1016 : vector<128x1xf32>
    %select_n3A_1018 = arith.select %ge3A_1017, %or3A_974, %select_n3A_962 : vector<128x1xi1>, vector<128x1xi32>
    %concatenate3A = tpu.concatenate %select_n3A_1006, %select_n3A_1010, %select_n3A_1014, %select_n3A_1018 in 0 : vector<128x1xi32>, vector<128x1xi32>, vector<128x1xi32>, vector<128x1xi32> -> vector<512x1xi32>
    %bitcast_convert_type3A_1019 = tpu.bitcast %concatenate3A : vector<512x1xi32> -> vector<512x1xf32>
    %bitcast_convert_type3A_1020 = tpu.bitcast %and3A_3 : vector<512x1024xi32> -> vector<512x1024xf32>
    %sub3A = vector.broadcast %bitcast_convert_type3A_1019 : vector<512x1xf32> to vector<512x1024xf32>
    %sub3A_1021 = arith.subf %bitcast_convert_type3A_1020, %sub3A : vector<512x1024xf32>
    %mul3A = arith.constant 1.000000e+01 : f32
    %mul3A_1022 = vector.broadcast %mul3A : f32 to vector<512x1024xf32>
    %mul3A_1023 = arith.mulf %mul3A_1022, %sub3A_1021 : vector<512x1024xf32>
    %logistic3A = arith.negf %mul3A_1023 : vector<512x1024xf32>
    %logistic3A_1024 = math.exp %logistic3A : vector<512x1024xf32>
    %logistic3A_1025 = arith.constant 1.000000e+00 : f32
    %logistic3A_1026 = vector.broadcast %logistic3A_1025 : f32 to vector<512x1024xf32>
    %logistic3A_1027 = arith.addf %logistic3A_1026, %logistic3A_1024 : vector<512x1024xf32>
    %logistic3A_1028 = arith.divf %logistic3A_1026, %logistic3A_1027 : vector<512x1024xf32>
    %mul3A_1029 = arith.mulf %get3A_1, %logistic3A_1028 : vector<512x1024xf32>
    %swap3A = arith.constant 0 : index
    %swap3A_1030 = arith.constant 0 : index
    %swap3A_1031 = vector.load %arg2[%swap3A, %swap3A_1030] : memref<512x1024xf32, #tpu.memory_space<vmem>>, vector<512x1024xf32>
    tpu.vector_store %arg2[%swap3A, %swap3A_1030], %mul3A_1029 {strides = array<i32>} : memref<512x1024xf32, #tpu.memory_space<vmem>>, vector<512x1024xf32>,
    return
  }
  func.func @transform_0(%arg0: i32) -> (i32, i32) {
    %add3A = arith.constant 13 : i32
    %add3A_0 = arith.addi %arg0, %add3A : i32
    %c0_i32 = arith.constant 0 : i32
    %c0_i32_1 = arith.constant 0 : i32
    return %add3A_0, %c0_i32 : i32, i32
  }
  func.func @transform_1(%arg0: i32) -> (i32, i32) {
    %add3A = arith.constant 13 : i32
    %add3A_0 = arith.addi %arg0, %add3A : i32
    %c0_i32 = arith.constant 0 : i32
    %c0_i32_1 = arith.constant 0 : i32
    return %add3A_0, %c0_i32 : i32, i32
  }
}

module attributes {stable_mosaic.version = 14 : i64} {
  func.func @_mask_body(%arg0: i32, %arg1: memref<512x1024xf32, #tpu.memory_space<vmem>>, %arg2: memref<512x1xi32, #tpu.memory_space<vmem>>, %arg3: memref<32768x1024xf32, #tpu.memory_space<hbm>>, %arg4: memref<512x1024xf32, #tpu.memory_space<vmem>>) attributes {dimension_semantics = [#tpu.dimension_semantics<arbitrary>], iteration_bounds = array<i64: 13>, scalar_prefetch = 0 : i64, scratch_operands = 0 : i64, tpu.core_type = #tpu.core_type<tc>, window_params = [{transform_indices = @transform_0, window_bounds = array<i64: 512, 1024>}, {transform_indices = @transform_1, window_bounds = array<i64: 512, 1>}, {}, {transform_indices = @transform_3, window_bounds = array<i64: 512, 1024>}]} {
    %get3A = arith.constant 0 : index
    %get3A_0 = arith.constant 0 : index
    %get3A_1 = vector.load %arg1[%get3A, %get3A_0] : memref<512x1024xf32, #tpu.memory_space<vmem>>, vector<512x1024xf32>
    %get3A_2 = arith.constant 0 : index
    %get3A_3 = arith.constant 0 : index
    %get3A_4 = vector.load %arg2[%get3A_2, %get3A_3] : memref<512x1xi32, #tpu.memory_space<vmem>>, vector<512x1xi32>
    %bitcast_convert_type3A = tpu.bitcast %get3A_4 : vector<512x1xi32> -> vector<512x1xf32>
    %abs3A = math.absf %get3A_1 : vector<512x1024xf32>
    %sub3A = vector.broadcast %bitcast_convert_type3A : vector<512x1xf32> to vector<512x1024xf32>
    %sub3A_5 = arith.subf %abs3A, %sub3A : vector<512x1024xf32>
    %mul3A = arith.constant 1.000000e+01 : f32
    %mul3A_6 = vector.broadcast %mul3A : f32 to vector<512x1024xf32>
    %mul3A_7 = arith.mulf %mul3A_6, %sub3A_5 : vector<512x1024xf32>
    %logistic3A = arith.negf %mul3A_7 : vector<512x1024xf32>
    %logistic3A_8 = math.exp %logistic3A : vector<512x1024xf32>
    %logistic3A_9 = arith.constant 1.000000e+00 : f32
    %logistic3A_10 = vector.broadcast %logistic3A_9 : f32 to vector<512x1024xf32>
    %logistic3A_11 = arith.addf %logistic3A_10, %logistic3A_8 : vector<512x1024xf32>
    %logistic3A_12 = arith.divf %logistic3A_10, %logistic3A_11 : vector<512x1024xf32>
    %mul3A_13 = arith.mulf %get3A_1, %logistic3A_12 : vector<512x1024xf32>
    %swap3A = arith.constant 0 : index
    %swap3A_14 = arith.constant 0 : index
    %swap3A_15 = vector.load %arg4[%swap3A, %swap3A_14] : memref<512x1024xf32, #tpu.memory_space<vmem>>, vector<512x1024xf32>
    tpu.vector_store %arg4[%swap3A, %swap3A_14], %mul3A_13 {strides = array<i32>} : memref<512x1024xf32, #tpu.memory_space<vmem>>, vector<512x1024xf32>,
    return
  }
  func.func @transform_0(%arg0: i32) -> (i32, i32) {
    %c0_i32 = arith.constant 0 : i32
    %c0_i32_0 = arith.constant 0 : i32
    return %arg0, %c0_i32 : i32, i32
  }
  func.func @transform_1(%arg0: i32) -> (i32, i32) {
    %c0_i32 = arith.constant 0 : i32
    %c0_i32_0 = arith.constant 0 : i32
    return %arg0, %c0_i32 : i32, i32
  }
  func.func @transform_3(%arg0: i32) -> (i32, i32) {
    %c0_i32 = arith.constant 0 : i32
    %c0_i32_0 = arith.constant 0 : i32
    return %arg0, %c0_i32 : i32, i32
  }
}

</mosaic_0001>

<sc_bundles>
// kernel: kernel.5.cloned.1.call-start
scs
__scs_entry_jumppad:
0x0: {  	(pc) =	sbr.rel $0x88, $3  }
0x1: {  	(tag) =	ssettag $0x0;
	lr =	simm.s32 $0x1  }
0x2: {  	[smem:$0x3FA0] =	sst lr;
	_ =	strace $0xD0000000  }
0x3: {  	_ = 	snop  }
0x4: {  	_ = 	snop  }
0x5: {  	_ = 	snop  }
0x6: {  	_ = 	snop  }
0x7: {  	_ = 	snop  }
__scs_overlays_trampoline_lowered:
0x8: {  	[smem:$0x3FAF] =	sst s0  }
0x9: {  	[smem:$0x3FB0] =	sst s1  }
0xa: {  	[smem:$0x3FB1] =	sst s2  }
0xb: {  	[smem:$0x3FB2] =	sst s3  }
0xc: {  	[smem:$0x3FB3] =	sst s4  }
0xd: {  	[smem:$0x3FB4] =	sst s5  }
0xe: {  	[smem:$0x3FB5] =	sst s6  }
0xf: {  	[smem:$0x3FB6] =	sst s7  }
0x10: {  	[smem:$0x3FB7] =	sst s8  }
0x11: {  	[smem:$0x3FB8] =	sst s9;
	s0 =	simm.s32 @!p0 $0x0  }
0x12: {  	s1 =	sld [smem:$0x3F9E];
	s0 =	simm.s32 @p0 $0x1  }
0x13: {  	[smem:$0x3FB9] =	sst s0;
	s0 =	simm.s32 @!p1 $0x0  }
0x14: {  	s2 =	sld [smem:$0x3F9D];
	s0 =	simm.s32 @p1 $0x1  }
0x15: {  	[smem:$0x3FBA] =	sst s0;
	s0 =	simm.s32 @!p2 $0x0  }
0x16: {  	s3 =	sld [smem:$0x3FDB];
	s0 =	simm.s32 @p2 $0x1  }
0x17: {  	s4 =	simm.s32 $0x1BF5;
	[smem:$0x3FBC] =	sst s0  }
0x18: {  	s0 =	sld [smem:$0x3F9F];
	_ =	swait.ge [sflag:s4], $0x0  }
0x19: {  	s7 =	sld [smem:$0x3FA0]  }
0x1a: {  	s8 =	sadd.s32 $0xFFFFE003, lr  }
0x1b: {  	s9 =	sadd.s32 $0xFFFFFEF7, lr;
	s5 =	simm.s32 $0xFFFFFFFF;
	p2 =	slt.u32 s8, $0xFFFFF086  }
0x1c: {  	p1 =	slt.u32 s9, $0xF7A;
	s5 =	simm.s32 @!p2 $0x0  }
0x1d: {  	s5 =	simm.s32 @p1 $0x1;
	p0 =	seq.s32 s7, s2  }
0x1e: {  	s7 =	smul.u32 @!p0 $0xF7A, s2;
	p2 =	seq.s32 @!p0 s5, $0x0  }
0x1f: {  	s9 =	smul.u32 $0xF7A, s1;
	s8 =	simm.s32 @!p0 $0x1BF5;
	p2 =	por !p2, p0  }
0x20: {  	[sflag:s8] =	ssyncset.s32 @!p0 $0xFFFFF086;
	s6 =	sadd.s32 @!p0 s3, s7;
	s7 =	simm.s32 @!p0 $0x108  }
0x21: {  	s3 =	sadd.s32 s3, s9;
	s6 =	sadd.s32 @!p0 $0x88, s6;
	s7 =	simm.s32 @p2 $0x1082  }
0x22: {  	[simem:s7], [sflag:s8] =	dma.local @!p0 [hbm:s6], $0xF7A  }
0x23: {  	s9 =	sor.u32 $0xD0000000, s2;
	s6 =	simm.s32 $0x108;
	_ =	swait.ge @!p0 [sflag:s8], $0x0  }
0x24: {  	s3 =	sadd.s32 $0x88, s3;
	s6 =	simm.s32 @!p1 $0x1082;
	[sflag:s4] =	ssyncset.s32 $0xFFFFF086  }
0x25: {  	[simem:s6], [sflag:s4] =	dma.local [hbm:s3], $0xF7A  }
0x26: {  	[smem:$0x3FA0] =	sst s1;
	(tag) =	ssettag s2;
	_ =	strace s9  }
0x27: {  	s1 =	sld [smem:$0x3FB0]  }
0x28: {  	s2 =	sld [smem:$0x3FB1]  }
0x29: {  	s4 =	sld [smem:$0x3FB3]  }
0x2a: {  	p0 =	seq.s32 s5, $0x0;
	s5 =	sld [smem:$0x3FB4]  }
0x2b: {  	s6 =	sld [smem:$0x3FB5]  }
0x2c: {  	s7 =	sld [smem:$0x3FB6]  }
0x2d: {  	s3 =	simm.s32 $0x108;
	s8 =	sld [smem:$0x3FB7]  }
0x2e: {  	s3 =	simm.s32 @!p0 $0x1082;
	s9 =	sld [smem:$0x3FB8]  }
0x2f: {  	lr =	sadd.s32 s0, s3;
	s0 =	sld [smem:$0x3FAF]  }
0x30: {  	s3 =	sld [smem:$0x3FB2]  }
0x31: {  	[smem:$0x3FBB] =	sst s10  }
0x32: {  	s10 =	sld [smem:$0x3FB9];
	_ =	sdelay $0x3  }
0x33: {  	p0 =	seq.s32 s10, $0x1;
	s10 =	sld [smem:$0x3FBB];
	_ =	sdelay $0x3  }
0x34: {  	[smem:$0x3FBB] =	sst s10  }
0x35: {  	s10 =	sld [smem:$0x3FBA];
	_ =	sdelay $0x3  }
0x36: {  	p1 =	seq.s32 s10, $0x1;
	s10 =	sld [smem:$0x3FBB];
	_ =	sdelay $0x3  }
0x37: {  	[smem:$0x3FBB] =	sst s10  }
0x38: {  	s10 =	sld [smem:$0x3FBC]  }
0x39: {  	_ = 	snop;
	(pc) =	sbr.ind lr, $3  }
0x3a: {  	_ = 	snop  }
0x3b: {  	_ = 	snop  }
0x3c: {  	p2 =	seq.s32 s10, $0x1;
	s10 =	sld [smem:$0x3FBB]  }
0x3d: {  	_ =	shalt  }
0x3e: {  	_ =	shalt  }
0x3f: {  	_ =	shalt  }
0x40: {  	_ =	shalt  }
0x41: {  	_ =	shalt  }
0x42: {  	_ =	shalt  }
0x43: {  	_ =	shalt  }
0x44: {  	_ =	shalt  }
0x45: {  	_ =	shalt  }
0x46: {  	_ =	shalt  }
0x47: {  	_ =	shalt  }
0x48: {  	_ =	shalt  }
0x49: {  	_ =	shalt  }
0x4a: {  	_ =	shalt  }
0x4b: {  	_ =	shalt  }
0x4c: {  	_ =	shalt  }
0x4d: {  	_ =	shalt  }
0x4e: {  	_ =	shalt  }
0x4f: {  	_ =	shalt  }
0x50: {  	_ =	shalt  }
0x51: {  	_ =	shalt  }
0x52: {  	_ =	shalt  }
0x53: {  	_ =	shalt  }
0x54: {  	_ =	shalt  }
0x55: {  	_ =	shalt  }
0x56: {  	_ =	shalt  }
0x57: {  	_ =	shalt  }
0x58: {  	_ =	shalt  }
0x59: {  	_ =	shalt  }
0x5a: {  	_ =	shalt  }
0x5b: {  	_ =	shalt  }
0x5c: {  	_ =	shalt  }
0x5d: {  	_ =	shalt  }
0x5e: {  	_ =	shalt  }
0x5f: {  	_ =	shalt  }
0x60: {  	_ =	shalt  }
0x61: {  	_ =	shalt  }
0x62: {  	_ =	shalt  }
0x63: {  	_ =	shalt  }
0x64: {  	_ =	shalt  }
0x65: {  	_ =	shalt  }
0x66: {  	_ =	shalt  }
0x67: {  	_ =	shalt  }
0x68: {  	_ =	shalt  }
0x69: {  	_ =	shalt  }
0x6a: {  	_ =	shalt  }
0x6b: {  	_ =	shalt  }
0x6c: {  	_ =	shalt  }
0x6d: {  	_ =	shalt  }
0x6e: {  	_ =	shalt  }
0x6f: {  	_ =	shalt  }
0x70: {  	_ =	shalt  }
0x71: {  	_ =	shalt  }
0x72: {  	_ =	shalt  }
0x73: {  	_ =	shalt  }
0x74: {  	_ =	shalt  }
0x75: {  	_ =	shalt  }
0x76: {  	_ =	shalt  }
0x77: {  	_ =	shalt  }
0x78: {  	_ =	shalt  }
0x79: {  	_ =	shalt  }
0x7a: {  	_ =	shalt  }
0x7b: {  	_ =	shalt  }
0x7c: {  	_ =	shalt  }
0x7d: {  	_ =	shalt  }
0x7e: {  	_ =	shalt  }
0x7f: {  	_ =	shalt  }
0x80: {  	_ =	shalt  }
0x81: {  	_ =	shalt  }
0x82: {  	_ =	shalt  }
0x83: {  	_ =	shalt  }
0x84: {  	_ =	shalt  }
0x85: {  	_ =	shalt  }
0x86: {  	_ =	shalt  }
0x87: {  	_ =	shalt  }
.Lfunc_end0:
.L_simem_size_0:
called_computation_lowered:
.L_overlay_start_0:
0x88: {  	s2 =	sld [smem:$0x3FD9]  }
0x89: {  	s3 =	sld [smem:$0x3FFE];
	_ =	sdelay $0x1  }
0x8a: {  	s1 =	srdreg.scid  }
0x8b: {  	s0 =	sand.u32 $0x1, s1  }
0x8c: {  	s16 =	sshll.u32 s0, $0xA;
	s2 =	sadd.s32 s3, s2  }
0x8d: {  	s2 =	sadd.s32 s2, s16  }
0x8e: {  	[smem:$0x3FC7] =	sst s2  }
0x8f: {  	_ = 	snop  }
0x90: {  	(tm) =	ssettm $0x1  }
0x91: {  	s17 =	sld [smem:$0x3FFB];
	_ =	sdelay $0x3  }
0x92: {  	_ =	strace s17  }
0x93: {  	s2 =	sld [smem:$0x3FFC];
	_ =	sdelay $0x3  }
0x94: {  	_ =	strace s2  }
0x95: {  	s2 =	sld [smem:$0x3FFD];
	_ =	sdelay $0x3  }
0x96: {  	_ =	strace s2  }
0x97: {  	_ =	strace $0x8FFFFFFF  }
0x98: {  	s18 =	sld [smem:$0x3FDB];
	_ =	sdelay $0x1  }
0x99: {  	s19 =	simm.s32 $_scs_section_size  }
0x9a: {  	s4 =	simm.s32 $_size__tile_overlayer_lowered;
	s5 =	simm.s32 $_tile_overlayer_lowered  }
0x9b: {  	s22 =	simm.s32 $0x1BFF;
	s21 =	sshll.u32 s5, $0x1;
	s2 =	sadd.s32 s19, s18  }
0x9c: {  	s6 =	simm.s32 $0x0;
	s20 =	sshll.u32 s4, $0x1;
	s4 =	sadd.s32 s21, s2  }
0x9d: {  	[timem:s6], [sflag:s22] =	dma.local [hbm:s4], s20  }
0x9e: {  	_ =	swait.ge [sflag:s22], s20  }
0x9f: {  	s3 =	ssub.s32 $0x0, s20;
	[sflag:s22] =	ssyncset.done $0x0  }
0xa0: {  	[sflag:s22] =	ssyncadd.s32 s3;
	_ =	sdelay $0x1  }
0xa1: {  	s23 =	simm.s32 $0x1B8B  }
0xa2: {  	_ =	swait.ge [sflag:s23], $0x1  }
0xa3: {  	[sflag:s23] =	ssyncset.done $0x0  }
0xa4: {  	s25 =	simm.s32 $0x1B8E;
	s24 =	sld [smem:$0x3FFE];
	[sflag:s23] =	ssyncadd.s32 $0xFFFFFFFF  }
0xa5: {  	s26 =	simm.s32 $execute0_lowered;
	[smem:$0x3FD2] =	sst s25  }
0xa6: {  	s4 =	sshll.u32 s26, $0x1;
	_ =	strace $0x80000046;
	[dreg:$0x1] =	wrdreg $0xFFFFFFFF  }
0xa7: {  	s28 =	simm.s32 $_size_execute0_lowered;
	s2 =	sadd.s32 s2, s4;
	[dreg:$0x0] =	wrdreg $0x0  }
0xa8: {  	s4 =	sshll.u32 s28, $0x1;
	[dreg:$0x2] =	wrdreg s2  }
0xa9: {  	[dreg:$0x3] =	wrdreg s4  }
0xaa: {  	[dreg:$0x4] =	wrdreg $0xC0  }
0xab: {  	_ =	task [dreg:s6], $0x5FFFF  }
0xac: {  	[dreg:$0x1] =	wrdreg $0xFFFFFFFF  }
0xad: {  	[dreg:$0x0] =	wrdreg $0x60  }
0xae: {  	[dreg:$0x2] =	wrdreg s24  }
0xaf: {  	[dreg:$0x3] =	wrdreg $0x9  }
0xb0: {  	_ =	task.clear_ibuf [dreg:s6], $0x4FFFF;
	_ =	strace $0x90000046  }
0xb1: {  	s29 =	simm.s32 $0x9;
	_ =	strace $0x80000048  }
0xb2: {  	_ =	swait.ge [sflag:s29], $0x1  }
0xb3: {  	[sflag:s29] =	ssyncadd.s32 $0xFFFFFFFF  }
0xb4: {  	_ =	strace $0x90000048  }
0xb5: {  	_ =	sfence  }
0xb6: {  	s30 =	sld [smem:$0x0];
	_ =	sdelay $0x2  }
0xb7: {  	s31 =	sshll.u32 s1, $0xD;
	s1 =	sshrl.u32 s1, $0x2  }
0xb8: {  	s3 =	sand.u32 $0x4000, s31;
	s1 =	sadd.s32 s1, s30  }
0xb9: {  	s0 =	sor.u32 s3, s0;
	s1 =	sshll.u32 s1, $0x11  }
0xba: {  	s0 =	sor.u32 s1, s0  }
0xbb: {  	s0 =	sadd.s32 $0x8F2B, s0  }
0xbc: {  	[sflag:s0] =	ssyncadd.remote.s32 $0x1  }
0xbd: {  	_ =	sfence.sel $0xFFFF  }
0xbe: {  	[dreg:$0x0] =	wrdreg $0xFFFFFFFF;
	(pc) =	sbr.abs _section_cstart, $3  }
0xbf: {  	[dreg:$0x1] =	wrdreg $0xFFFFFFFF  }
0xc0: {  	_ =	task.clear_ibuf [dreg:s6], $0x2FFFF;
	_ =	strace $0x9FFFFFFF  }
0xc1: {  	(tm) =	ssettm $0x7FFFFFFF  }
tec
execute0_lowered:
.L_overlay_start_1:
0x0: {  	(tag) =	ssettag $0x1  }
0x1: {  	s1 =	srdreg.scid;
	s0 =	stileid.u32  }
0x2: {  	s5 =	rddreg [dreg:$0x0];
	s2 =	simm.s32 $0x0;
	s9 =	simm.s32 $0x2200  }
0x3: {  	s10 =	simm.s32 $0x2280;
	s4 =	sand.u32 $0x1, s1;
	s31 =	sshll.u32 s0, $0x1  }
0x4: {  	s11 =	simm.s32 $0x2480;
	s12 =	simm.s32 $0x2500;
	s3 =	sor.u32 s4, s31  }
0x5: {  	s13 =	simm.s32 $0x0;
	[smem:$0x7FF] =	sst s2;
	s3 =	smul.u32 $0xD0, s3  }
0x6: {  	v0 =	vlaneseq.u32;
	s1 =	rddreg [dreg:$0x1];
	s6 =	ssub.s32 $0x2, s4;
	_ =	strace $0x80000047  }
0x7: {  	v2 =	vmul.u32 $0xFFFFFFFF, v0;
	s4 =	sadd.s32 $0x400, s5;
	s8 =	sshrl.u32 s6, $0x1;
	s7 =	sshrl.u32 s3, $0x3  }
0x8: {  	v1 =	vimm.s32 $0x1;
	v3 =	vimm.s32 $0xF;
	s6 =	ssub.s32 s6, s8;
	s8 =	simm.s32 $0x2000;
	s5 =	sadd.s32 s7, s5  }
0x9: {  	v4 =	vimm.f32 $0.0e+00;
	v0 =	vimm.s32 $0x0;
	v2 =	vadd.s32 $0xF, v2;
	s6 =	smax.u32 s6, $0x1;
	s7 =	simm.s32 $0x1;
	s5 =	sadd.s32 $0xD0400, s5  }
.LBB2_1:
0xa: {  	s14 =	simm.s32 $0x0  }
.LBB2_2:
0xb: {  	s15 =	sshll.u32 s14, $0x3  }
0xc: {  	s16 =	sadd.s32 s3, s15  }
0xd: {  	s16 =	sshll.u32 s16, $0x7  }
0xe: {  	s17 =	sadd.s32 s4, s16;
	s16 =	simm.s32 $0x0  }
0xf: {  	[tilespmem:s16], [sflag:$0x1] =	stream.linear.gather [hbm4b:s17+s16], $0x2000, $0x38;
	[tilespmem:$0x2600] =	vst v63  }
0x10: {  	_ =	swait.ge [sflag:s7], $0x2000  }
0x11: {  	[sflag:s7] =	ssyncset.done $0x0  }
0x12: {  	s17 =	simm.s32 $0x40;
	[sflag:s7] =	ssyncadd.s32 $0xFFFFE000  }
.LBB2_3:
0x13: {  	s18 =	simm.s32 $0x2040  }
0x14: {  	[tilespmem:s18+$0x30] =	vst v0  }
0x15: {  	[tilespmem:s18+$0xFFFFFFF0] =	vst v0  }
0x16: {  	[tilespmem:s18+$0xFFFFFFC0] =	vst v0  }
0x17: {  	[tilespmem:s18+$0xFFFFFFE0] =	vst v0  }
0x18: {  	[tilespmem:s18+$0x10] =	vst v0  }
0x19: {  	[tilespmem:s18+$0x20] =	vst v0  }
0x1a: {  	[tilespmem:s18+$0x0] =	vst v0  }
0x1b: {  	s19 =	simm.s32 $0x22C0;
	[tilespmem:s18+$0xFFFFFFD0] =	vst v0  }
0x1c: {  	[tilespmem:s19+$0xFFFFFFC0] =	vst v0  }
0x1d: {  	[tilespmem:s19+$0x30] =	vst v0  }
0x1e: {  	[tilespmem:s19+$0x20] =	vst v0  }
0x1f: {  	[tilespmem:s19+$0x10] =	vst v0  }
0x20: {  	[tilespmem:s19+$0xFFFFFFE0] =	vst v0  }
0x21: {  	[tilespmem:s19+$0x0] =	vst v0  }
0x22: {  	s20 =	simm.s32 $0x0;
	[tilespmem:s19+$0xFFFFFFF0] =	vst v0  }
.LBB2_4:
0x23: {  	s20 =	sadd.s32 $0x8, s20;
	[tilespmem:s19+$0xFFFFFFD0] =	vst v0;
	s18 =	sadd.s32 $0x80, s18;
	s19 =	sadd.s32 $0x80, s19  }
0x24: {  	[tilespmem:s18+$0x30] =	vst v0;
	p0 =	slt.u32 s20, $0x18  }
0x25: {  	[tilespmem:s18+$0xFFFFFFF0] =	vst v0  }
0x26: {  	[tilespmem:s18+$0xFFFFFFC0] =	vst v0  }
0x27: {  	[tilespmem:s19+$0xFFFFFFC0] =	vst v0  }
0x28: {  	[tilespmem:s19+$0x30] =	vst v0  }
0x29: {  	[tilespmem:s18+$0xFFFFFFE0] =	vst v0  }
0x2a: {  	[tilespmem:s18+$0x10] =	vst v0  }
0x2b: {  	[tilespmem:s18+$0x20] =	vst v0  }
0x2c: {  	[tilespmem:s19+$0x20] =	vst v0  }
0x2d: {  	[tilespmem:s19+$0x10] =	vst v0  }
.Ltmp0:
0x2e: {  	[tilespmem:s19+$0xFFFFFFE0] =	vst v0;
	(pc) =	sbr.rel @p0 .LBB2_4-.Ltmp0, $4  }
0x2f: {  	[tilespmem:s18+$0x0] =	vst v0  }
0x30: {  	[tilespmem:s19+$0x0] =	vst v0  }
0x31: {  	[tilespmem:s19+$0xFFFFFFF0] =	vst v0  }
0x32: {  	[tilespmem:s18+$0xFFFFFFD0] =	vst v0  }
0x33: {  	[tilespmem:s19+$0xFFFFFFD0] =	vst v0  }
0x34: {  	[tilespmem:$0x2200] =	vst v0  }
0x35: {  	[tilespmem:$0x2210] =	vst v0  }
0x36: {  	[tilespmem:$0x2480] =	vst v0  }
0x37: {  	[tilespmem:$0x2490] =	vst v0  }
0x38: {  	v5 =	vld [tilespmem:s17+$0x30];
	_ =	sdelay $0x1  }
0x39: {  	v6 =	vld [tilespmem:s17+$0xFFFFFFD0];
	_ =	sdelay $0x1  }
0x3a: {  	v7 =	vld [tilespmem:s17+$0xFFFFFFE0]  }
0x3b: {  	v8 =	vshrl.u32 v5, $0x16  }
0x3c: {  	v9 =	vld [tilespmem:s17+$0xFFFFFFC0];
	v5 =	vshrl.u32 v5, $0x1A;
	v8 =	vand.u32 $0x1FF, v8  }
0x3d: {  	v10 =	vld [tilespmem:s17+$0xFFFFFFF0];
	v11 =	vshrl.u32 v6, $0x16;
	v5 =	vand.u32 $0x1F, v5  }
0x3e: {  	v12 =	vld [tilespmem:s17+$0x0];
	v6 =	vshrl.u32 v6, $0x1A;
	v11 =	vand.u32 $0x1FF, v11  }
0x3f: {  	v13 =	vld [tilespmem:s17+$0x10];
	v14 =	vshrl.u32 v7, $0x16;
	v6 =	vand.u32 $0x1F, v6  }
0x40: {  	v15 =	vld [tilespmem:s17+$0x20];
	v7 =	vshrl.u32 v7, $0x1A;
	v14 =	vand.u32 $0x1FF, v14  }
0x41: {  	v7 =	vand.u32 $0x1F, v7;
	[tilespmem:v8+s8+$0x0] =	vst.idx.add.s32.msk $0xffff, v1;
	v8 =	vshrl.u32 v9, $0x16  }
0x42: {  	v9 =	vshrl.u32 v9, $0x1A;
	[tilespmem:v5+s9+$0x0] =	vst.idx.add.s32.msk $0xffff, v1;
	v5 =	vand.u32 $0x1FF, v8  }
0x43: {  	[tilespmem:v11+s8+$0x0] =	vst.idx.add.s32.msk $0xffff, v1;
	v8 =	vshrl.u32 v10, $0x16;
	v9 =	vand.u32 $0x1F, v9  }
0x44: {  	[tilespmem:v6+s9+$0x0] =	vst.idx.add.s32.msk $0xffff, v1;
	v6 =	vshrl.u32 v12, $0x16;
	v8 =	vand.u32 $0x1FF, v8  }
0x45: {  	[tilespmem:v14+s8+$0x0] =	vst.idx.add.s32.msk $0xffff, v1;
	v10 =	vshrl.u32 v10, $0x1A;
	v6 =	vand.u32 $0x1FF, v6  }
0x46: {  	v11 =	vshrl.u32 v12, $0x1A;
	[tilespmem:v7+s9+$0x0] =	vst.idx.add.s32.msk $0xffff, v1;
	v10 =	vand.u32 $0x1F, v10  }
0x47: {  	v11 =	vand.u32 $0x1F, v11;
	[tilespmem:v5+s8+$0x0] =	vst.idx.add.s32.msk $0xffff, v1  }
0x48: {  	[tilespmem:v9+s9+$0x0] =	vst.idx.add.s32.msk $0xffff, v1  }
0x49: {  	v7 =	vshrl.u32 v13, $0x1A;
	[tilespmem:v8+s8+$0x0] =	vst.idx.add.s32.msk $0xffff, v1  }
0x4a: {  	v7 =	vand.u32 $0x1F, v7;
	[tilespmem:v6+s8+$0x0] =	vst.idx.add.s32.msk $0xffff, v1  }
0x4b: {  	v5 =	vshrl.u32 v13, $0x16;
	v9 =	vshrl.u32 v15, $0x16;
	[tilespmem:v10+s9+$0x0] =	vst.idx.add.s32.msk $0xffff, v1;
	v10 =	vshrl.u32 v15, $0x1A  }
0x4c: {  	s18 =	simm.s32 $0x0;
	s19 =	sadd.s32 $0x80, s17;
	v8 =	vand.u32 $0x1FF, v5;
	v6 =	vand.u32 $0x1FF, v9;
	[tilespmem:v11+s9+$0x0] =	vst.idx.add.s32.msk $0xffff, v1;
	v5 =	vand.u32 $0x1F, v10  }
.LBB2_6:
0x4d: {  	v9 =	vld [tilespmem:s19+$0x30]  }
0x4e: {  	s18 =	sadd.s32 $0x8, s18;
	v10 =	vld [tilespmem:s19+$0xFFFFFFD0]  }
0x4f: {  	p0 =	slt.u32 s18, $0x38;
	v11 =	vld [tilespmem:s19+$0xFFFFFFE0]  }
0x50: {  	v12 =	vld [tilespmem:s19+$0xFFFFFFF0]  }
0x51: {  	v13 =	vld [tilespmem:s19+$0x0]  }
0x52: {  	v14 =	vld [tilespmem:s19+$0x10];
	v15 =	vshrl.u32 v9, $0x16  }
0x53: {  	v9 =	vshrl.u32 v9, $0x1A;
	v16 =	vshrl.u32 v10, $0x16;
	v17 =	vld [tilespmem:s19+$0x20];
	v15 =	vand.u32 $0x1FF, v15  }
0x54: {  	v10 =	vshrl.u32 v10, $0x1A;
	v9 =	vand.u32 $0x1F, v9;
	v18 =	vld [tilespmem:s19+$0xFFFFFFC0];
	v19 =	vshrl.u32 v11, $0x16  }
0x55: {  	v11 =	vshrl.u32 v11, $0x1A;
	v20 =	vshrl.u32 v12, $0x16;
	v12 =	vshrl.u32 v12, $0x1A;
	[tilespmem:v8+s8+$0x0] =	vst.idx.add.s32.msk $0xffff, v1  }
0x56: {  	v8 =	vand.u32 $0x1FF, v16;
	v16 =	vshrl.u32 v13, $0x16;
	v13 =	vshrl.u32 v13, $0x1A;
	[tilespmem:v7+s9+$0x0] =	vst.idx.add.s32.msk $0xffff, v1  }
0x57: {  	v7 =	vand.u32 $0x1F, v10;
	v10 =	vshrl.u32 v14, $0x16;
	v14 =	vshrl.u32 v14, $0x1A;
	[tilespmem:v6+s8+$0x0] =	vst.idx.add.s32.msk $0xffff, v1  }
0x58: {  	v19 =	vand.u32 $0x1FF, v19;
	v6 =	vshrl.u32 v17, $0x16;
	v17 =	vshrl.u32 v17, $0x1A;
	[tilespmem:v15+s8+$0x0] =	vst.idx.add.s32.msk $0xffff, v1  }
0x59: {  	v11 =	vand.u32 $0x1F, v11;
	v15 =	vshrl.u32 v18, $0x16;
	v18 =	vshrl.u32 v18, $0x1A;
	[tilespmem:v9+s9+$0x0] =	vst.idx.add.s32.msk $0xffff, v1  }
0x5a: {  	v9 =	vand.u32 $0x1FF, v15;
	v15 =	vand.u32 $0x1F, v18;
	v18 =	vand.u32 $0x1FF, v20;
	[tilespmem:v5+s9+$0x0] =	vst.idx.add.s32.msk $0xffff, v1  }
0x5b: {  	v12 =	vand.u32 $0x1F, v12;
	v16 =	vand.u32 $0x1FF, v16;
	v13 =	vand.u32 $0x1F, v13;
	[tilespmem:v8+s8+$0x0] =	vst.idx.add.s32.msk $0xffff, v1  }
0x5c: {  	v6 =	vand.u32 $0x1FF, v6;
	v8 =	vand.u32 $0x1FF, v10;
	[tilespmem:v7+s9+$0x0] =	vst.idx.add.s32.msk $0xffff, v1;
	v7 =	vand.u32 $0x1F, v14  }
0x5d: {  	v5 =	vand.u32 $0x1F, v17;
	[tilespmem:v19+s8+$0x0] =	vst.idx.add.s32.msk $0xffff, v1  }
0x5e: {  	[tilespmem:v11+s9+$0x0] =	vst.idx.add.s32.msk $0xffff, v1  }
0x5f: {  	[tilespmem:v9+s8+$0x0] =	vst.idx.add.s32.msk $0xffff, v1  }
.Ltmp1:
0x60: {  	[tilespmem:v15+s9+$0x0] =	vst.idx.add.s32.msk $0xffff, v1;
	(pc) =	sbr.rel @p0 .LBB2_6-.Ltmp1, $4  }
0x61: {  	[tilespmem:v18+s8+$0x0] =	vst.idx.add.s32.msk $0xffff, v1  }
0x62: {  	[tilespmem:v12+s9+$0x0] =	vst.idx.add.s32.msk $0xffff, v1  }
0x63: {  	[tilespmem:v16+s8+$0x0] =	vst.idx.add.s32.msk $0xffff, v1  }
0x64: {  	s19 =	sadd.s32 $0x80, s19;
	[tilespmem:v13+s9+$0x0] =	vst.idx.add.s32.msk $0xffff, v1  }
0x65: {  	_ =	sdelay $0x3  }
0x66: {  	[tilespmem:v8+s8+$0x0] =	vst.idx.add.s32.msk $0xffff, v1  }
0x67: {  	[tilespmem:v6+s8+$0x0] =	vst.idx.add.s32.msk $0xffff, v1  }
0x68: {  	[tilespmem:v7+s9+$0x0] =	vst.idx.add.s32.msk $0xffff, v1  }
0x69: {  	[tilespmem:v5+s9+$0x0] =	vst.idx.add.s32.msk $0xffff, v1  }
0x6a: {  	v5 =	vld [tilespmem:$0x2210];
	_ =	sdelay $0x4  }
0x6b: {  	v5 =	vperm.xlane v5, v2;
	_ =	sdelay $0x1  }
0x6c: {  	(xrf0) =	vadd.scan.msk.s32 $0xffff, v5;
	_ =	sdelay $0x5  }
0x6d: {  	v6, _, _ =	vpop (xrf0)  }
0x6e: {  	vm0 =	vgt.s32 v6, $0x65  }
0x6f: {  	v7 =	vsel vm0, $0x3F800000, v4  }
0x70: {  	(xrf0) =	vmax.scan.msk.f32 $0xffff, v7;
	_ =	sdelay $0x3  }
0x71: {  	v7 =	vld [tilespmem:$0x2200];
	_ =	sdelay $0x1  }
0x72: {  	v8, _, _ =	vpop (xrf0)  }
0x73: {  	(v2sf) =	vpush v8, $0xF;
	_ =	sdelay $0x1  }
0x74: {  	v7 =	vperm.xlane v7, v2;
	_ =	sdelay $0x1  }
0x75: {  	(xrf0) =	vadd.scan.msk.s32 $0xffff, v7;
	_ =	sdelay $0x4  }
0x76: {  	v8 =	vperm.xlane v6, v3  }
0x77: {  	v9, _, _ =	vpop (xrf0)  }
0x78: {  	v8 =	vadd.s32 v8, v9  }
0x79: {  	vm1 =	vgt.s32 v8, $0x65  }
0x7a: {  	v9 =	vmctz.xlane vm0;
	v10 =	vmctz.xlane vm1;
	_ =	sdelay $0x1  }
0x7b: {  	vm0 =	vlt.s32 v9, $0xF;
	vm1 =	vlt.s32 v10, $0xF;
	s18 =	spop (v2sf)  }
0x7c: {  	v9 =	vnsel vm0, $0xF, v9;
	v10 =	vnsel vm1, $0xF, v10;
	p0 =	sgt.f32 s18, $0.0e+00  }
0x7d: {  	v11 =	vsub.s32 $0x1F, v9;
	v12 =	vsub.s32 $0xF, v10  }
0x7e: {  	v11 =	vpsel p0, v11, v12  }
0x7f: {  	v12 =	vxor.u32 $0x80000000, v11  }
0x80: {  	(xrf0) =	vmax.scan.msk.u32 $0xffff, v12;
	_ =	sdelay $0x5  }
0x81: {  	v12, _, _ =	vpop (xrf0)  }
0x82: {  	(v2sf) =	vpush v12, $0xF;
	_ =	sdelay $0xe  }
0x83: {  	s31 =	spop (v2sf)  }
0x84: {  	s18 =	sshll.u32 s31, $0x6  }
0x85: {  	s18 =	sshra.s32 s18, $0x2  }
0x86: {  	v12 =	vld [tilespmem:s18+$0x2000];
	_ =	sdelay $0x4  }
0x87: {  	v12 =	vperm.xlane v12, v2;
	_ =	sdelay $0x1  }
0x88: {  	(xrf0) =	vadd.scan.msk.s32 $0xffff, v12;
	_ =	sdelay $0x2  }
0x89: {  	v5 =	vsub.s32 v6, v5;
	v6 =	vsub.s32 v8, v7  }
0x8a: {  	v5 =	vperm.xlane v5, v9;
	v6 =	vperm.xlane v6, v10;
	_ =	sdelay $0x1  }
0x8b: {  	v6 =	vpsel p0, v5, v6;
	v7, _, _ =	vpop (xrf0)  }
0x8c: {  	v8 =	vld [tilespmem:s17+$0x20];
	v5 =	vadd.s32 v6, v7  }
0x8d: {  	v9 =	vld [tilespmem:s17+$0x30];
	vm0 =	vgt.s32 v5, $0x65  }
0x8e: {  	v5 =	vmctz.xlane vm0;
	_ =	sdelay $0x1  }
0x8f: {  	v10 =	vshll.u32 v11, $0x4;
	vm0 =	vlt.s32 v5, $0xF  }
0x90: {  	v13 =	vshrl.u32 v8, $0x16;
	v11 =	vnsel vm0, $0xF, v5;
	v5 =	vor.u32 $0xF, v10  }
0x91: {  	v13 =	vand.u32 $0x1FF, v13;
	v15 =	vshrl.u32 v9, $0x16;
	v5 =	vsub.s32 v5, v11  }
0x92: {  	v14 =	vld [tilespmem:s17+$0x0];
	v17 =	vshrl.u32 v8, $0xD;
	v15 =	vand.u32 $0x1FF, v15;
	vm0 =	veq.s32 v13, v5  }
0x93: {  	v16 =	vld [tilespmem:s17+$0xFFFFFFF0];
	v17 =	vand.u32 $0x1FF, v17;
	v13 =	vshrl.u32 v9, $0xD;
	vm1 =	veq.s32 v15, v5  }
0x94: {  	v7 =	vsub.s32 v7, v12;
	v9 =	vshrl.u32 v9, $0x11;
	v13 =	vand.u32 $0x1FF, v13  }
0x95: {  	v7 =	vperm.xlane v7, v11;
	v11 =	vld [tilespmem:s17+$0xFFFFFFD0];
	v9 =	vand.u32 $0x1F, v9  }
0x96: {  	v10 =	vld [tilespmem:s17+$0xFFFFFFE0]  }
0x97: {  	v18 =	vshrl.u32 v14, $0x16;
	v19 =	vshrl.u32 v14, $0xD  }
0x98: {  	v18 =	vand.u32 $0x1FF, v18;
	v19 =	vand.u32 $0x1FF, v19;
	v12 =	vshrl.u32 v16, $0x11;
	[tilespmem:v17+s10+$0x0] =	vst.idx.add.s32.msk vm0, v1  }
0x99: {  	v15 =	vshrl.u32 v8, $0x11;
	vm3 =	veq.s32 v18, v5;
	v18 =	vshrl.u32 v16, $0x16;
	[tilespmem:v13+s10+$0x0] =	vst.idx.add.s32.msk vm1, v1  }
0x9a: {  	v20 =	vand.u32 $0x1F, v15;
	v17 =	vshrl.u32 v14, $0x11;
	[tilespmem:v9+s11+$0x0] =	vst.idx.add.s32.msk vm1, v1;
	v9 =	vshrl.u32 v11, $0x16  }
0x9b: {  	v13 =	vshrl.u32 v16, $0xD;
	v16 =	vshrl.u32 v10, $0xD;
	v9 =	vand.u32 $0x1FF, v9  }
0x9c: {  	vm1 =	veq.s32 v9, v5;
	v9 =	vand.u32 $0x1FF, v16;
	v16 =	vand.u32 $0x1F, v17  }
0x9d: {  	v15 =	vld [tilespmem:s17+$0xFFFFFFC0];
	v14 =	vshrl.u32 v10, $0x16  }
0x9e: {  	v18 =	vand.u32 $0x1FF, v18;
	v21 =	vand.u32 $0x1FF, v14;
	v14 =	vld [tilespmem:s17+$0x10]  }
0x9f: {  	vm2 =	veq.s32 v18, v5;
	v8 =	vshrl.u32 v10, $0x11;
	[tilespmem:v19+s10+$0x0] =	vst.idx.add.s32.msk vm3, v1;
	v10 =	vand.u32 $0x1FF, v13  }
0xa0: {  	s19 =	sadd.s32 $0x80, s17;
	s18 =	simm.s32 $0x0;
	v13 =	vshrl.u32 v11, $0xD;
	v11 =	vshrl.u32 v11, $0x11;
	[tilespmem:v20+s11+$0x0] =	vst.idx.add.s32.msk vm0, v1;
	vm0 =	veq.s32 v21, v5  }
.LBB2_8:
0xa1: {  	s18 =	sadd.s32 $0x8, s18;
	v12 =	vand.u32 $0x1F, v12;
	[tilespmem:v16+s11+$0x0] =	vst.idx.add.s32.msk vm3, v1  }
0xa2: {  	v16 =	vld [tilespmem:s19+$0x30];
	p0 =	slt.u32 s18, $0x38;
	v17 =	vshrl.u32 v15, $0x16;
	v18 =	vshrl.u32 v15, $0xD;
	v15 =	vshrl.u32 v15, $0x11  }
0xa3: {  	v19 =	vld [tilespmem:s19+$0x20];
	v17 =	vand.u32 $0x1FF, v17;
	v20 =	vshrl.u32 v14, $0x16;
	v21 =	vshrl.u32 v14, $0xD  }
0xa4: {  	v14 =	vshrl.u32 v14, $0x11;
	v22 =	vld [tilespmem:s19+$0xFFFFFFD0];
	vm5 =	veq.s32 v17, v5;
	v17 =	vand.u32 $0x1FF, v20  }
0xa5: {  	v13 =	vand.u32 $0x1FF, v13;
	v18 =	vand.u32 $0x1FF, v18;
	v20 =	vld [tilespmem:s19+$0xFFFFFFE0];
	vm3 =	veq.s32 v17, v5  }
0xa6: {  	v15 =	vand.u32 $0x1F, v15;
	v21 =	vand.u32 $0x1FF, v21;
	v14 =	vand.u32 $0x1F, v14;
	v17 =	vld [tilespmem:s19+$0xFFFFFFF0]  }
0xa7: {  	v23 =	vld [tilespmem:s19+$0x0];
	v24 =	vshrl.u32 v16, $0x16;
	v25 =	vshrl.u32 v16, $0xD;
	v16 =	vshrl.u32 v16, $0x11  }
0xa8: {  	v26 =	vshrl.u32 v19, $0x16;
	v27 =	vshrl.u32 v19, $0xD;
	v24 =	vand.u32 $0x1FF, v24;
	[tilespmem:v10+s10+$0x0] =	vst.idx.add.s32.msk vm2, v1  }
0xa9: {  	v11 =	vand.u32 $0x1F, v11;
	v19 =	vshrl.u32 v19, $0x11;
	v10 =	vand.u32 $0x1FF, v26;
	[tilespmem:v12+s11+$0x0] =	vst.idx.add.s32.msk vm2, v1  }
0xaa: {  	v26 =	vshrl.u32 v20, $0x11;
	vm4 =	veq.s32 v10, v5;
	[tilespmem:v18+s10+$0x0] =	vst.idx.add.s32.msk vm5, v1  }
0xab: {  	vm2 =	veq.s32 v24, v5;
	v18 =	vand.u32 $0x1FF, v27;
	v12 =	vshrl.u32 v17, $0x11;
	[tilespmem:v13+s10+$0x0] =	vst.idx.add.s32.msk vm1, v1  }
0xac: {  	v25 =	vand.u32 $0x1FF, v25;
	v24 =	vshrl.u32 v23, $0xD;
	v27 =	vshrl.u32 v23, $0x11;
	[tilespmem:v15+s11+$0x0] =	vst.idx.add.s32.msk vm5, v1  }
0xad: {  	v15 =	vshrl.u32 v23, $0x16;
	v23 =	vand.u32 $0x1F, v16;
	v16 =	vand.u32 $0x1F, v8;
	v8 =	vmovc v26;
	[tilespmem:v9+s10+$0x0] =	vst.idx.add.s32.msk vm0, v1  }
0xae: {  	v26 =	vshrl.u32 v17, $0x16;
	v9 =	vshrl.u32 v17, $0xD;
	v17 =	vand.u32 $0x1F, v19;
	[tilespmem:v11+s11+$0x0] =	vst.idx.add.s32.msk vm1, v1  }
0xaf: {  	v19 =	vshrl.u32 v20, $0x16;
	v20 =	vshrl.u32 v20, $0xD;
	v10 =	vand.u32 $0x1FF, v9;
	[tilespmem:v21+s10+$0x0] =	vst.idx.add.s32.msk vm3, v1  }
0xb0: {  	v13 =	vshrl.u32 v22, $0xD;
	v9 =	vshrl.u32 v22, $0x16;
	v11 =	vshrl.u32 v22, $0x11;
	[tilespmem:v14+s11+$0x0] =	vst.idx.add.s32.msk vm3, v1  }
0xb1: {  	v15 =	vand.u32 $0x1FF, v15;
	v9 =	vand.u32 $0x1FF, v9;
	v14 =	vand.u32 $0x1FF, v19;
	[tilespmem:v18+s10+$0x0] =	vst.idx.add.s32.msk vm4, v1  }
0xb2: {  	vm1 =	veq.s32 v9, v5;
	v9 =	vand.u32 $0x1FF, v20;
	vm3 =	veq.s32 v15, v5;
	[tilespmem:v25+s10+$0x0] =	vst.idx.add.s32.msk vm2, v1  }
0xb3: {  	v19 =	vand.u32 $0x1FF, v24;
	v18 =	vand.u32 $0x1FF, v26;
	[tilespmem:v16+s11+$0x0] =	vst.idx.add.s32.msk vm0, v1;
	vm0 =	veq.s32 v14, v5  }
.Ltmp2:
0xb4: {  	v16 =	vand.u32 $0x1F, v27;
	[tilespmem:v23+s11+$0x0] =	vst.idx.add.s32.msk vm2, v1;
	(pc) =	sbr.rel @p0 .LBB2_8-.Ltmp2, $4  }
0xb5: {  	v15 =	vld [tilespmem:s19+$0xFFFFFFC0]  }
0xb6: {  	vm2 =	veq.s32 v18, v5;
	v14 =	vld [tilespmem:s19+$0x10]  }
0xb7: {  	[tilespmem:v17+s11+$0x0] =	vst.idx.add.s32.msk vm4, v1  }
0xb8: {  	s19 =	sadd.s32 $0x80, s19;
	[tilespmem:v19+s10+$0x0] =	vst.idx.add.s32.msk vm3, v1  }
0xb9: {  	_ =	sdelay $0x2  }
0xba: {  	v12 =	vand.u32 $0x1F, v12  }
0xbb: {  	v13 =	vand.u32 $0x1FF, v13;
	v17 =	vshrl.u32 v15, $0x16  }
0xbc: {  	[tilespmem:v16+s11+$0x0] =	vst.idx.add.s32.msk vm3, v1;
	v11 =	vand.u32 $0x1F, v11;
	v8 =	vand.u32 $0x1F, v8;
	v17 =	vand.u32 $0x1FF, v17  }
0xbd: {  	[tilespmem:v10+s10+$0x0] =	vst.idx.add.s32.msk vm2, v1;
	v18 =	vshrl.u32 v15, $0xD;
	v48 =	vshrl.u32 v14, $0x16;
	vm4 =	veq.s32 v17, v5  }
0xbe: {  	[tilespmem:v9+s10+$0x0] =	vst.idx.add.s32.msk vm0, v1;
	v47 =	vshrl.u32 v15, $0x11;
	v46 =	vand.u32 $0x1FF, v18;
	v16 =	vand.u32 $0x1FF, v48  }
0xbf: {  	v15 =	vand.u32 $0x1F, v47;
	v49 =	vshrl.u32 v14, $0xD;
	vm12 =	veq.s32 v16, v5;
	[tilespmem:v12+s11+$0x0] =	vst.idx.add.s32.msk vm2, v1  }
0xc0: {  	v50 =	vshrl.u32 v14, $0x11;
	v10 =	vand.u32 $0x1FF, v49;
	[tilespmem:v13+s10+$0x0] =	vst.idx.add.s32.msk vm1, v1  }
0xc1: {  	v12 =	vand.u32 $0x1F, v50;
	[tilespmem:v8+s11+$0x0] =	vst.idx.add.s32.msk vm0, v1  }
0xc2: {  	[tilespmem:v11+s11+$0x0] =	vst.idx.add.s32.msk vm1, v1  }
0xc3: {  	[tilespmem:v46+s10+$0x0] =	vst.idx.add.s32.msk vm4, v1  }
0xc4: {  	[tilespmem:v15+s11+$0x0] =	vst.idx.add.s32.msk vm4, v1  }
0xc5: {  	[tilespmem:v10+s10+$0x0] =	vst.idx.add.s32.msk vm12, v1  }
0xc6: {  	[tilespmem:v12+s11+$0x0] =	vst.idx.add.s32.msk vm12, v1  }
0xc7: {  	v8 =	vld [tilespmem:$0x2490];
	_ =	sdelay $0x4  }
0xc8: {  	v8 =	vperm.xlane v8, v2;
	_ =	sdelay $0x1  }
0xc9: {  	(xrf0) =	vadd.scan.msk.s32 $0xffff, v8;
	_ =	sdelay $0x4  }
0xca: {  	v6 =	vadd.s32 v7, v6  }
0xcb: {  	v6 =	vsub.s32 $0x66, v6;
	v7, _, _ =	vpop (xrf0)  }
0xcc: {  	vm13 =	vge.s32 v7, v6  }
0xcd: {  	v51 =	vsel vm13, $0x3F800000, v4  }
0xce: {  	(xrf0) =	vmax.scan.msk.f32 $0xffff, v51;
	_ =	sdelay $0x3  }
0xcf: {  	v52 =	vld [tilespmem:$0x2480];
	_ =	sdelay $0x1  }
0xd0: {  	v53, _, _ =	vpop (xrf0)  }
0xd1: {  	(v2sf) =	vpush v53, $0xF;
	_ =	sdelay $0x1  }
0xd2: {  	v9 =	vperm.xlane v52, v2;
	_ =	sdelay $0x1  }
0xd3: {  	(xrf0) =	vadd.scan.msk.s32 $0xffff, v9;
	_ =	sdelay $0x4  }
0xd4: {  	v54 =	vperm.xlane v7, v3  }
0xd5: {  	v55, _, _ =	vpop (xrf0)  }
0xd6: {  	v10 =	vadd.s32 v54, v55  }
0xd7: {  	vm14 =	vge.s32 v10, v6  }
0xd8: {  	v56 =	vmctz.xlane vm13;
	v57 =	vmctz.xlane vm14;
	_ =	sdelay $0x1  }
0xd9: {  	vm0 =	vlt.s32 v56, $0xF;
	vm1 =	vlt.s32 v57, $0xF;
	s18 =	spop (v2sf)  }
0xda: {  	v11 =	vnsel vm0, $0xF, v56;
	v12 =	vnsel vm1, $0xF, v57;
	p0 =	sgt.f32 s18, $0.0e+00  }
0xdb: {  	v58 =	vsub.s32 $0x1F, v11;
	v59 =	vsub.s32 $0xF, v12  }
0xdc: {  	v13 =	vpsel p0, v58, v59  }
0xdd: {  	v14 =	vxor.u32 $0x80000000, v13  }
0xde: {  	(xrf0) =	vmax.scan.msk.u32 $0xffff, v14;
	_ =	sdelay $0x5  }
0xdf: {  	v14, _, _ =	vpop (xrf0)  }
0xe0: {  	(v2sf) =	vpush v14, $0xF;
	_ =	sdelay $0xe  }
0xe1: {  	s30 =	spop (v2sf)  }
0xe2: {  	s18 =	sshll.u32 s30, $0x6  }
0xe3: {  	s18 =	sshra.s32 s18, $0x2  }
0xe4: {  	v60 =	vld [tilespmem:s18+$0x2280];
	_ =	sdelay $0x4  }
0xe5: {  	v14 =	vperm.xlane v60, v2;
	_ =	sdelay $0x1  }
0xe6: {  	(xrf0) =	vadd.scan.msk.s32 $0xffff, v14;
	_ =	sdelay $0x2  }
0xe7: {  	v7 =	vsub.s32 v7, v8;
	v61 =	vsub.s32 v10, v9  }
0xe8: {  	v7 =	vperm.xlane v7, v11;
	v8 =	vperm.xlane v61, v12;
	_ =	sdelay $0x1  }
0xe9: {  	v7 =	vpsel p0, v7, v8;
	v62, _, _ =	vpop (xrf0)  }
0xea: {  	v7 =	vadd.s32 v7, v62  }
0xeb: {  	vm15 =	vge.s32 v7, v6  }
0xec: {  	v6 =	vmctz.xlane vm15  }
0xed: {  	s31 =	sor.u32 s15, s16;
	s16 =	sadd.s32 $0x1, s16  }
0xee: {  	v63 =	vmov s31;
	p0 =	sne.s32 s16, $0x8;
	v7 =	vshll.u32 v13, $0x4;
	vm0 =	vlt.s32 v6, $0xF  }
.Ltmp3:
0xef: {  	v7 =	vor.u32 $0xF, v7;
	v6 =	vnsel vm0, $0xF, v6;
	(pc) =	sbr.rel @p0 .LBB2_3-.Ltmp3, $4  }
0xf0: {  	v6 =	vsub.s32 v7, v6  }
0xf1: {  	v5 =	vshll.u32 v5, $0x16;
	v6 =	vshll.u32 v6, $0xD  }
0xf2: {  	v5 =	vor.u32 v5, v6  }
0xf3: {  	s17 =	sadd.s32 $0x400, s17;
	[tilespmem:v63+s12+$0x0] =	vst.idx.msk $0x1, v5  }
0xf4: {  	s14 =	sadd.s32 $0x1, s14  }
0xf5: {  	p0 =	sne.s32 s14, $0x1A  }
.Ltmp4:
0xf6: {  	_ = 	snop;
	(pc) =	sbr.rel @p0 .LBB2_2-.Ltmp4, $1  }
0xf7: {  	_ =	sdelay $0x3  }
0xf8: {  	s13 =	sadd.s32 $0x1, s13  }
0xf9: {  	p0 =	sne.s32 s13, s6  }
.Ltmp5:
0xfa: {  	_ = 	snop;
	(pc) =	sbr.rel @p0 .LBB2_1-.Ltmp5, $4  }
0xfb: {  	[hbm4b:s5+s2] =	stream.linear.scatter [tilespmem:s12], [sflag:$0x1], $0xD0, $0x38;
	[tilespmem:$0x2600] =	vst v63  }
0xfc: {  	_ =	swait.ge [sflag:s7], $0xD0  }
0xfd: {  	[sflag:s7] =	ssyncset.done $0x0  }
0xfe: {  	[sflag:s7] =	ssyncadd.s32 $0xFFFFFF30  }
0xff: {  	_ =	sfence.sel $0x180000  }
0x100: {  	[bflag:$0x0] =	sbarrier.arrive $0xFFFF  }
0x101: {  	p0 =	sne.s32 s0, $0x0;
	_ =	strace $0x90000047  }
0x102: {  	s0 =	sadd.s32 @!p0 $0x100000, s1;
	[bflag:$0x2] =	sbarrier.arrive $0xFFFF  }
0x103: {  	[sflag:s0] =	ssyncadd.tile.s32 @!p0 $0x1;
	_ =	shalt  }
.Lfunc_end2:
_tile_overlayer_lowered:
.L_overlay_start_2:
0x104: {  	(tag) =	ssettag $0x2  }
0x105: {  	s0 =	rddreg [dreg:$0x0];
	s2 =	stileid.u32  }
0x106: {  	s1 =	rddreg [dreg:$0x1];
	p0 =	sne.s32 s2, $0x0  }
0x107: {  	s3 =	rddreg [dreg:$0x2];
	[bflag:$0x3] =	sbarrier.arrive $0xFFFF;
	s2 =	simm.s32 @!p0 $0x1C01  }
0x108: {  	[timem:s3], [sflag:s2] =	dma.local @!p0 [hbm:s0], s1  }
0x109: {  	s0 =	simm.s32 @!p0 $0x1  }
0x10a: {  	_ =	swait.ge @!p0 [sflag:s0], s1  }
0x10b: {  	s1 =	ssub.s32 @!p0 $0x0, s1;
	[sflag:s0] =	ssyncset.done @!p0 $0x0  }
0x10c: {  	[sflag:s0] =	ssyncadd.s32 @!p0 s1  }
0x10d: {  	[bflag:$0x3] =	sbarrier.arrive $0xFFFF  }
0x10e: {  	_ =	shalt  }

</sc_bundles>
